<compile_context>
chip_gen: v7x
topology: tpu7x:2x2x1
jax: 0.10.2.dev20260603
libtpu: 0.0.44.dev20260713+nightly
codegen_flags: <defaults>
</compile_context>

<pallas_src>
import functools

import jax
import jax.numpy as jnp
from jax import lax
from jax.experimental import pallas as pl
from jax.experimental.pallas import tpu as pltpu
from jax.experimental.pallas import tpu_sc as plsc

NUM_GATES = 1000
BATCH = 16384
DIM = 128
LANES = 16

NC = 2
NS = 16
NW = NC * NS

B_PER_W = BATCH // NW
CHUNK = 128
NCHUNK = B_PER_W // CHUNK
NBUF = 3
G_PER_S = 64


def _sc_gate_mul(x, idx, gates):
    mesh = plsc.VectorSubcoreMesh(core_axis_name="c", subcore_axis_name="s")

    @functools.partial(
        pl.kernel,
        mesh=mesh,
        out_type=jax.ShapeDtypeStruct((BATCH, DIM), jnp.float32),
        scratch_types=[
            pltpu.VMEM((NCHUNK, CHUNK), jnp.int32),
            pltpu.VMEM((NBUF, CHUNK, DIM), jnp.float32),
            pltpu.VMEM((NBUF, CHUNK, DIM), jnp.float32),
            pltpu.VMEM_SHARED((NUM_GATES, DIM), jnp.float32),
            pltpu.SemaphoreType.DMA((NBUF,)),
            pltpu.SemaphoreType.DMA((NBUF,)),
            pltpu.SemaphoreType.DMA((NBUF,)),
        ],
    )
    def k(x_hbm, idx_hbm, gates_hbm, out_hbm, idx_v, g_v, x_v, gates_sp,
          gsem, xsem, osem):
        sid = lax.axis_index("s")
        wid = sid * NC + lax.axis_index("c")
        base = wid * B_PER_W

        gstart = jnp.minimum(sid * G_PER_S, NUM_GATES - G_PER_S)
        pltpu.sync_copy(gates_hbm.at[pl.ds(gstart, G_PER_S)],
                        gates_sp.at[pl.ds(gstart, G_PER_S)])
        pltpu.sync_copy(idx_hbm.at[pl.ds(wid * NCHUNK, NCHUNK)], idx_v)
        plsc.subcore_barrier()

        def fetch(c):
            b = c % NBUF
            pltpu.async_copy(gates_sp.at[idx_v.at[c]], g_v.at[b],
                             gsem.at[b])
            pltpu.async_copy(x_hbm.at[pl.ds(base + c * CHUNK, CHUNK)],
                             x_v.at[b], xsem.at[b])

        fetch(0)
        for c in range(NCHUNK):
            b = c % NBUF
            if c + 1 < NCHUNK:
                if c + 1 >= NBUF:
                    pltpu.make_async_copy(
                        x_v.at[(c + 1) % NBUF],
                        out_hbm.at[pl.ds(base + (c + 1 - NBUF) * CHUNK,
                                         CHUNK)],
                        osem.at[(c + 1) % NBUF],
                    ).wait()
                fetch(c + 1)
            pltpu.make_async_copy(gates_sp.at[idx_v.at[c]], g_v.at[b],
                                  gsem.at[b]).wait()
            pltpu.make_async_copy(x_hbm.at[pl.ds(base + c * CHUNK, CHUNK)],
                                  x_v.at[b], xsem.at[b]).wait()

            @plsc.parallel_loop(0, CHUNK, step=1, unroll=4)
            def row_body(r):
                for j in range(DIM // LANES):
                    sl = pl.ds(j * LANES, LANES)
                    x_v[b, r, sl] = x_v[b, r, sl] * g_v[b, r, sl]

            pltpu.async_copy(x_v.at[b],
                             out_hbm.at[pl.ds(base + c * CHUNK, CHUNK)],
                             osem.at[b])

        for c in range(max(0, NCHUNK - NBUF), NCHUNK):
            b = c % NBUF
            pltpu.make_async_copy(
                x_v.at[b],
                out_hbm.at[pl.ds(base + c * CHUNK, CHUNK)],
                osem.at[b],
            ).wait()

    return k(x, idx, gates)


def kernel(input, gate_index, gates):
    idx = gate_index.astype(jnp.int32).reshape(NW * NCHUNK, CHUNK)
    return _sc_gate_mul(input, idx, gates)

# --- scband reference (transcript-rebuilt; emitter-appended) ---
"""Pipeline reference for scband-xdg-layer-816043786349 (READ-ONLY COPY).

The authoritative reference and input builder live on the scoring server;
editing this copy changes nothing except your own understanding.
"""

import jax, jax.numpy as jnp
import numpy as np

NUM_GATES = 1000
GATE_FRAC = 0.5
BATCH = 16384
DIM = 128

def setup_inputs(seed: int = 0) -> dict:
    key = jax.random.key(seed)
    k1, k2, k3 = jax.random.split(key, 3)
    x = jax.random.normal(k1, (BATCH, DIM), dtype=jnp.float32)
    gate_index = jax.random.randint(k2, (BATCH, 1), 0, NUM_GATES, dtype=jnp.int64)
    # Non-trainable binary gates: Bernoulli(1 - gate_frac), shape [num_gates, dim]
    gates = (jax.random.uniform(k3, (NUM_GATES, DIM)) < (1.0 - GATE_FRAC)).astype(jnp.float32)
    return {"input": x, "gate_index": gate_index, "gates": gates}

def reference(input, gate_index, gates):
    # onehots = tf.one_hot(cast(gate_index, int32), num_gates) -> [B, 1, G]
    onehots = jax.nn.one_hot(gate_index.astype(jnp.int32), NUM_GATES, dtype=jnp.float32)
    # squeeze axis=1 -> [B, G]
    onehots = jnp.squeeze(onehots, axis=1)
    # selected_gates = onehots @ gates -> [B, D] (equivalent to row-gather from gates)
    selected_gates = onehots @ gates
    return input * selected_gates

if __name__ == "__main__":
    import jax
    _d = setup_inputs()
    print(jax.jit(kernel)(*tuple(_d.values())))

</pallas_src>

<mosaic_0001>
#map = affine_map<(d0, d1) -> (0, 0)>
module attributes {stable_mosaic.version = 14 : i64} {
  func.func @k(%arg0: i32, %arg1: i32, %arg2: memref<16384x128xf32, #tpu.memory_space<hbm>>, %arg3: memref<128x128xi32, #tpu.memory_space<hbm>>, %arg4: memref<1000x128xf32, #tpu.memory_space<hbm>>, %arg5: memref<16384x128xf32, #tpu.memory_space<hbm>>, %arg6: memref<4x128xi32, #tpu.memory_space<vmem>>, %arg7: memref<3x128x128xf32, #tpu.memory_space<vmem>>, %arg8: memref<3x128x128xf32, #tpu.memory_space<vmem>>, %arg9: memref<1000x128xf32, #tpu.memory_space<vmem_shared>>, %arg10: memref<3x!tpu.dma_semaphore, #tpu.memory_space<semaphore_mem>>, %arg11: memref<3x!tpu.dma_semaphore, #tpu.memory_space<semaphore_mem>>, %arg12: memref<3x!tpu.dma_semaphore, #tpu.memory_space<semaphore_mem>>) attributes {dimension_semantics = [#tpu.dimension_semantics<core_parallel>, #tpu.dimension_semantics<subcore_parallel>], iteration_bounds = array<i64: 2, 16>, scalar_prefetch = 0 : i64, scratch_operands = 7 : i64, tpu.core_type = #tpu.core_type<sc_vector_subcore>, window_params = [{transform_indices = #map}, {transform_indices = #map}, {transform_indices = #map}, {transform_indices = #map}]} {
    %mul3A = arith.constant 2 : i32
    %mul3A_0 = arith.muli %arg1, %mul3A : i32
    %add3A = arith.addi %mul3A_0, %arg0 : i32
    %mul3A_1 = arith.constant 512 : i32
    %mul3A_2 = arith.muli %add3A, %mul3A_1 : i32
    %mul3A_3 = arith.constant 64 : i32
    %mul3A_4 = arith.muli %arg1, %mul3A_3 : i32
    %min3A = arith.constant 936 : i32
    %min3A_5 = arith.minsi %mul3A_4, %min3A : i32
    "tpu.region"() ({
      %run_scoped3A = tpu.sem_alloc : memref<!tpu.dma_semaphore, #tpu.memory_space<semaphore_mem>>
      %dma_start3A_425 = arith.constant 0 : i32
      %dma_start3A_426 = tpu.memref_slice %arg9[%min3A_5, %dma_start3A_425] : memref<1000x128xf32, #tpu.memory_space<vmem_shared>> -> memref<64x128xf32, #tpu.memory_space<vmem_shared>>
      %dma_start3A_427 = arith.constant 0 : i32
      %dma_start3A_428 = tpu.memref_slice %arg4[%min3A_5, %dma_start3A_427] : memref<1000x128xf32, #tpu.memory_space<hbm>> -> memref<64x128xf32, #tpu.memory_space<hbm>>
      tpu.enqueue_dma source(%dma_start3A_428 : memref<64x128xf32, #tpu.memory_space<hbm>>) target(%dma_start3A_426 : memref<64x128xf32, #tpu.memory_space<vmem_shared>>) target_semaphore(%run_scoped3A : memref<!tpu.dma_semaphore, #tpu.memory_space<semaphore_mem>>)
      %dma_wait3A_429 = arith.constant 0 : i32
      %dma_wait3A_430 = tpu.memref_slice %arg9[%min3A_5, %dma_wait3A_429] : memref<1000x128xf32, #tpu.memory_space<vmem_shared>> -> memref<64x128xf32, #tpu.memory_space<vmem_shared>>
      %dma_wait3A_431 = arith.constant 0 : i32
      %dma_wait3A_432 = tpu.memref_slice %arg4[%min3A_5, %dma_wait3A_431] : memref<1000x128xf32, #tpu.memory_space<hbm>> -> memref<64x128xf32, #tpu.memory_space<hbm>>
      tpu.wait_dma2 semaphore(%run_scoped3A : memref<!tpu.dma_semaphore, #tpu.memory_space<semaphore_mem>>) src(%dma_wait3A_432 : memref<64x128xf32, #tpu.memory_space<hbm>>) dst(%dma_wait3A_430 : memref<64x128xf32, #tpu.memory_space<vmem_shared>>)
      tpu.yield
    }) : () -> ()
    %mul3A_6 = arith.constant 4 : i32
    %mul3A_7 = arith.muli %add3A, %mul3A_6 : i32
    "tpu.region"() ({
      %run_scoped3A = tpu.sem_alloc : memref<!tpu.dma_semaphore, #tpu.memory_space<semaphore_mem>>
      %dma_start3A_425 = arith.constant 0 : i32
      %dma_start3A_426 = tpu.memref_slice %arg3[%mul3A_7, %dma_start3A_425] : memref<128x128xi32, #tpu.memory_space<hbm>> -> memref<4x128xi32, #tpu.memory_space<hbm>>
      %dma_start3A_427 = arith.constant 0 : i32
      %dma_start3A_428 = tpu.memref_slice %arg3[%mul3A_7, %dma_start3A_427] : memref<128x128xi32, #tpu.memory_space<hbm>> -> memref<4x128xi32, #tpu.memory_space<hbm>>
      tpu.enqueue_dma source(%dma_start3A_428 : memref<4x128xi32, #tpu.memory_space<hbm>>) target(%arg6 : memref<4x128xi32, #tpu.memory_space<vmem>>) target_semaphore(%run_scoped3A : memref<!tpu.dma_semaphore, #tpu.memory_space<semaphore_mem>>)
      %dma_wait3A_429 = arith.constant 0 : i32
      %dma_wait3A_430 = tpu.memref_slice %arg3[%mul3A_7, %dma_wait3A_429] : memref<128x128xi32, #tpu.memory_space<hbm>> -> memref<4x128xi32, #tpu.memory_space<hbm>>
      %dma_wait3A_431 = arith.constant 0 : i32
      %dma_wait3A_432 = tpu.memref_slice %arg3[%mul3A_7, %dma_wait3A_431] : memref<128x128xi32, #tpu.memory_space<hbm>> -> memref<4x128xi32, #tpu.memory_space<hbm>>
      tpu.wait_dma2 semaphore(%run_scoped3A : memref<!tpu.dma_semaphore, #tpu.memory_space<semaphore_mem>>) src(%dma_wait3A_432 : memref<4x128xi32, #tpu.memory_space<hbm>>) dst(%arg6 : memref<4x128xi32, #tpu.memory_space<vmem>>)
      tpu.yield
    }) : () -> ()
    %barrier3A = arith.constant 0 : index
    tpu.barrier barrier_id(%barrier3A)
    %dma_start3A = arith.constant 0 : i32
    %dma_start3A_8 = arith.constant 0 : i32
    %dma_start3A_9 = arith.constant 0 : i32
    %dma_start3A_10 = arith.constant 0 : i32
    %dma_start3A_11 = arith.constant 0 : i32
    %dma_start3A_12 = tpu.memref_slice %arg7[%dma_start3A_8, %dma_start3A_10, %dma_start3A_11] : memref<3x128x128xf32, #tpu.memory_space<vmem>> -> memref<1x128x128xf32, #tpu.memory_space<vmem>>
    %dma_start3A_13 = tpu.memref_squeeze %dma_start3A_12 : memref<1x128x128xf32, #tpu.memory_space<vmem>> -> memref<128x128xf32, #tpu.memory_space<vmem>>
    %dma_start3A_14 = arith.constant 0 : i32
    %dma_start3A_15 = tpu.memref_slice %arg6[%dma_start3A, %dma_start3A_14] : memref<4x128xi32, #tpu.memory_space<vmem>> -> memref<1x128xi32, #tpu.memory_space<vmem>>
    %dma_start3A_16 = tpu.memref_squeeze %dma_start3A_15 : memref<1x128xi32, #tpu.memory_space<vmem>> -> memref<128xi32, #tpu.memory_space<vmem>>
    %dma_start3A_17 = arith.constant 0 : i32
    %dma_start3A_18 = arith.constant 0 : i32
    %dma_start3A_19 = tpu.memref_slice %arg9[%dma_start3A_17, %dma_start3A_18] : memref<1000x128xf32, #tpu.memory_space<vmem_shared>> -> memref<1000x128xf32, #tpu.memory_space<vmem_shared>>
    %dma_start3A_20 = tpu.memref_slice %arg10[%dma_start3A_9] : memref<3x!tpu.dma_semaphore, #tpu.memory_space<semaphore_mem>> -> memref<1x!tpu.dma_semaphore, #tpu.memory_space<semaphore_mem>>
    %dma_start3A_21 = tpu.memref_squeeze %dma_start3A_20 : memref<1x!tpu.dma_semaphore, #tpu.memory_space<semaphore_mem>> -> memref<!tpu.dma_semaphore, #tpu.memory_space<semaphore_mem>>
    tpu.enqueue_indirect_dma source(%dma_start3A_19 : memref<1000x128xf32, #tpu.memory_space<vmem_shared>>) target(%dma_start3A_13 : memref<128x128xf32, #tpu.memory_space<vmem>>) offsets(%dma_start3A_16 : memref<128xi32, #tpu.memory_space<vmem>>) semaphore(%dma_start3A_21 : memref<!tpu.dma_semaphore, #tpu.memory_space<semaphore_mem>>)
    %add3A_22 = arith.constant 0 : i32
    %add3A_23 = arith.addi %mul3A_2, %add3A_22 : i32
    %dma_start3A_24 = arith.constant 0 : i32
    %dma_start3A_25 = arith.constant 0 : i32
    %dma_start3A_26 = arith.constant 0 : i32
    %dma_start3A_27 = arith.constant 0 : i32
    %dma_start3A_28 = tpu.memref_slice %arg8[%dma_start3A_24, %dma_start3A_26, %dma_start3A_27] : memref<3x128x128xf32, #tpu.memory_space<vmem>> -> memref<1x128x128xf32, #tpu.memory_space<vmem>>
    %dma_start3A_29 = tpu.memref_squeeze %dma_start3A_28 : memref<1x128x128xf32, #tpu.memory_space<vmem>> -> memref<128x128xf32, #tpu.memory_space<vmem>>
    %dma_start3A_30 = arith.constant 0 : i32
    %dma_start3A_31 = tpu.memref_slice %arg2[%add3A_23, %dma_start3A_30] : memref<16384x128xf32, #tpu.memory_space<hbm>> -> memref<128x128xf32, #tpu.memory_space<hbm>>
    %dma_start3A_32 = tpu.memref_slice %arg11[%dma_start3A_25] : memref<3x!tpu.dma_semaphore, #tpu.memory_space<semaphore_mem>> -> memref<1x!tpu.dma_semaphore, #tpu.memory_space<semaphore_mem>>
    %dma_start3A_33 = tpu.memref_squeeze %dma_start3A_32 : memref<1x!tpu.dma_semaphore, #tpu.memory_space<semaphore_mem>> -> memref<!tpu.dma_semaphore, #tpu.memory_space<semaphore_mem>>
    %dma_start3A_34 = arith.constant 0 : i32
    %dma_start3A_35 = arith.constant 0 : i32
    %dma_start3A_36 = tpu.memref_slice %arg8[%dma_start3A_24, %dma_start3A_34, %dma_start3A_35] : memref<3x128x128xf32, #tpu.memory_space<vmem>> -> memref<1x128x128xf32, #tpu.memory_space<vmem>>
    %dma_start3A_37 = tpu.memref_squeeze %dma_start3A_36 : memref<1x128x128xf32, #tpu.memory_space<vmem>> -> memref<128x128xf32, #tpu.memory_space<vmem>>
    %dma_start3A_38 = arith.constant 0 : i32
    %dma_start3A_39 = tpu.memref_slice %arg2[%add3A_23, %dma_start3A_38] : memref<16384x128xf32, #tpu.memory_space<hbm>> -> memref<128x128xf32, #tpu.memory_space<hbm>>
    tpu.enqueue_dma source(%dma_start3A_39 : memref<128x128xf32, #tpu.memory_space<hbm>>) target(%dma_start3A_37 : memref<128x128xf32, #tpu.memory_space<vmem>>) target_semaphore(%dma_start3A_33 : memref<!tpu.dma_semaphore, #tpu.memory_space<semaphore_mem>>)
    %dma_start3A_40 = arith.constant 1 : i32
    %dma_start3A_41 = arith.constant 1 : i32
    %dma_start3A_42 = arith.constant 1 : i32
    %dma_start3A_43 = arith.constant 0 : i32
    %dma_start3A_44 = arith.constant 0 : i32
    %dma_start3A_45 = tpu.memref_slice %arg7[%dma_start3A_41, %dma_start3A_43, %dma_start3A_44] : memref<3x128x128xf32, #tpu.memory_space<vmem>> -> memref<1x128x128xf32, #tpu.memory_space<vmem>>
    %dma_start3A_46 = tpu.memref_squeeze %dma_start3A_45 : memref<1x128x128xf32, #tpu.memory_space<vmem>> -> memref<128x128xf32, #tpu.memory_space<vmem>>
    %dma_start3A_47 = arith.constant 0 : i32
    %dma_start3A_48 = tpu.memref_slice %arg6[%dma_start3A_40, %dma_start3A_47] : memref<4x128xi32, #tpu.memory_space<vmem>> -> memref<1x128xi32, #tpu.memory_space<vmem>>
    %dma_start3A_49 = tpu.memref_squeeze %dma_start3A_48 : memref<1x128xi32, #tpu.memory_space<vmem>> -> memref<128xi32, #tpu.memory_space<vmem>>
    %dma_start3A_50 = arith.constant 0 : i32
    %dma_start3A_51 = arith.constant 0 : i32
    %dma_start3A_52 = tpu.memref_slice %arg9[%dma_start3A_50, %dma_start3A_51] : memref<1000x128xf32, #tpu.memory_space<vmem_shared>> -> memref<1000x128xf32, #tpu.memory_space<vmem_shared>>
    %dma_start3A_53 = tpu.memref_slice %arg10[%dma_start3A_42] : memref<3x!tpu.dma_semaphore, #tpu.memory_space<semaphore_mem>> -> memref<1x!tpu.dma_semaphore, #tpu.memory_space<semaphore_mem>>
    %dma_start3A_54 = tpu.memref_squeeze %dma_start3A_53 : memref<1x!tpu.dma_semaphore, #tpu.memory_space<semaphore_mem>> -> memref<!tpu.dma_semaphore, #tpu.memory_space<semaphore_mem>>
    tpu.enqueue_indirect_dma source(%dma_start3A_52 : memref<1000x128xf32, #tpu.memory_space<vmem_shared>>) target(%dma_start3A_46 : memref<128x128xf32, #tpu.memory_space<vmem>>) offsets(%dma_start3A_49 : memref<128xi32, #tpu.memory_space<vmem>>) semaphore(%dma_start3A_54 : memref<!tpu.dma_semaphore, #tpu.memory_space<semaphore_mem>>)
    %add3A_55 = arith.constant 128 : i32
    %add3A_56 = arith.addi %mul3A_2, %add3A_55 : i32
    %dma_start3A_57 = arith.constant 1 : i32
    %dma_start3A_58 = arith.constant 1 : i32
    %dma_start3A_59 = arith.constant 0 : i32
    %dma_start3A_60 = arith.constant 0 : i32
    %dma_start3A_61 = tpu.memref_slice %arg8[%dma_start3A_57, %dma_start3A_59, %dma_start3A_60] : memref<3x128x128xf32, #tpu.memory_space<vmem>> -> memref<1x128x128xf32, #tpu.memory_space<vmem>>
    %dma_start3A_62 = tpu.memref_squeeze %dma_start3A_61 : memref<1x128x128xf32, #tpu.memory_space<vmem>> -> memref<128x128xf32, #tpu.memory_space<vmem>>
    %dma_start3A_63 = arith.constant 0 : i32
    %dma_start3A_64 = tpu.memref_slice %arg2[%add3A_56, %dma_start3A_63] : memref<16384x128xf32, #tpu.memory_space<hbm>> -> memref<128x128xf32, #tpu.memory_space<hbm>>
    %dma_start3A_65 = tpu.memref_slice %arg11[%dma_start3A_58] : memref<3x!tpu.dma_semaphore, #tpu.memory_space<semaphore_mem>> -> memref<1x!tpu.dma_semaphore, #tpu.memory_space<semaphore_mem>>
    %dma_start3A_66 = tpu.memref_squeeze %dma_start3A_65 : memref<1x!tpu.dma_semaphore, #tpu.memory_space<semaphore_mem>> -> memref<!tpu.dma_semaphore, #tpu.memory_space<semaphore_mem>>
    %dma_start3A_67 = arith.constant 0 : i32
    %dma_start3A_68 = arith.constant 0 : i32
    %dma_start3A_69 = tpu.memref_slice %arg8[%dma_start3A_57, %dma_start3A_67, %dma_start3A_68] : memref<3x128x128xf32, #tpu.memory_space<vmem>> -> memref<1x128x128xf32, #tpu.memory_space<vmem>>
    %dma_start3A_70 = tpu.memref_squeeze %dma_start3A_69 : memref<1x128x128xf32, #tpu.memory_space<vmem>> -> memref<128x128xf32, #tpu.memory_space<vmem>>
    %dma_start3A_71 = arith.constant 0 : i32
    %dma_start3A_72 = tpu.memref_slice %arg2[%add3A_56, %dma_start3A_71] : memref<16384x128xf32, #tpu.memory_space<hbm>> -> memref<128x128xf32, #tpu.memory_space<hbm>>
    tpu.enqueue_dma source(%dma_start3A_72 : memref<128x128xf32, #tpu.memory_space<hbm>>) target(%dma_start3A_70 : memref<128x128xf32, #tpu.memory_space<vmem>>) target_semaphore(%dma_start3A_66 : memref<!tpu.dma_semaphore, #tpu.memory_space<semaphore_mem>>)
    %dma_wait3A = arith.constant 0 : i32
    %dma_wait3A_73 = arith.constant 0 : i32
    %dma_wait3A_74 = arith.constant 0 : i32
    %dma_wait3A_75 = arith.constant 0 : i32
    %dma_wait3A_76 = arith.constant 0 : i32
    %dma_wait3A_77 = tpu.memref_slice %arg7[%dma_wait3A_73, %dma_wait3A_75, %dma_wait3A_76] : memref<3x128x128xf32, #tpu.memory_space<vmem>> -> memref<1x128x128xf32, #tpu.memory_space<vmem>>
    %dma_wait3A_78 = tpu.memref_squeeze %dma_wait3A_77 : memref<1x128x128xf32, #tpu.memory_space<vmem>> -> memref<128x128xf32, #tpu.memory_space<vmem>>
    %dma_wait3A_79 = arith.constant 0 : i32
    %dma_wait3A_80 = tpu.memref_slice %arg6[%dma_wait3A, %dma_wait3A_79] : memref<4x128xi32, #tpu.memory_space<vmem>> -> memref<1x128xi32, #tpu.memory_space<vmem>>
    %dma_wait3A_81 = tpu.memref_squeeze %dma_wait3A_80 : memref<1x128xi32, #tpu.memory_space<vmem>> -> memref<128xi32, #tpu.memory_space<vmem>>
    %dma_wait3A_82 = arith.constant 0 : i32
    %dma_wait3A_83 = arith.constant 0 : i32
    %dma_wait3A_84 = tpu.memref_slice %arg9[%dma_wait3A_82, %dma_wait3A_83] : memref<1000x128xf32, #tpu.memory_space<vmem_shared>> -> memref<1000x128xf32, #tpu.memory_space<vmem_shared>>
    %dma_wait3A_85 = tpu.memref_slice %arg10[%dma_wait3A_74] : memref<3x!tpu.dma_semaphore, #tpu.memory_space<semaphore_mem>> -> memref<1x!tpu.dma_semaphore, #tpu.memory_space<semaphore_mem>>
    %dma_wait3A_86 = tpu.memref_squeeze %dma_wait3A_85 : memref<1x!tpu.dma_semaphore, #tpu.memory_space<semaphore_mem>> -> memref<!tpu.dma_semaphore, #tpu.memory_space<semaphore_mem>>
    tpu.wait_indirect_dma semaphore(%dma_wait3A_86 : memref<!tpu.dma_semaphore, #tpu.memory_space<semaphore_mem>>) src(%dma_wait3A_84 : memref<1000x128xf32, #tpu.memory_space<vmem_shared>>) dst(%dma_wait3A_78 : memref<128x128xf32, #tpu.memory_space<vmem>>)
    %add3A_87 = arith.constant 0 : i32
    %add3A_88 = arith.addi %mul3A_2, %add3A_87 : i32
    %dma_wait3A_89 = arith.constant 0 : i32
    %dma_wait3A_90 = arith.constant 0 : i32
    %dma_wait3A_91 = arith.constant 0 : i32
    %dma_wait3A_92 = arith.constant 0 : i32
    %dma_wait3A_93 = tpu.memref_slice %arg8[%dma_wait3A_89, %dma_wait3A_91, %dma_wait3A_92] : memref<3x128x128xf32, #tpu.memory_space<vmem>> -> memref<1x128x128xf32, #tpu.memory_space<vmem>>
    %dma_wait3A_94 = tpu.memref_squeeze %dma_wait3A_93 : memref<1x128x128xf32, #tpu.memory_space<vmem>> -> memref<128x128xf32, #tpu.memory_space<vmem>>
    %dma_wait3A_95 = arith.constant 0 : i32
    %dma_wait3A_96 = tpu.memref_slice %arg2[%add3A_88, %dma_wait3A_95] : memref<16384x128xf32, #tpu.memory_space<hbm>> -> memref<128x128xf32, #tpu.memory_space<hbm>>
    %dma_wait3A_97 = tpu.memref_slice %arg11[%dma_wait3A_90] : memref<3x!tpu.dma_semaphore, #tpu.memory_space<semaphore_mem>> -> memref<1x!tpu.dma_semaphore, #tpu.memory_space<semaphore_mem>>
    %dma_wait3A_98 = tpu.memref_squeeze %dma_wait3A_97 : memref<1x!tpu.dma_semaphore, #tpu.memory_space<semaphore_mem>> -> memref<!tpu.dma_semaphore, #tpu.memory_space<semaphore_mem>>
    %dma_wait3A_99 = arith.constant 0 : i32
    %dma_wait3A_100 = arith.constant 0 : i32
    %dma_wait3A_101 = tpu.memref_slice %arg8[%dma_wait3A_89, %dma_wait3A_99, %dma_wait3A_100] : memref<3x128x128xf32, #tpu.memory_space<vmem>> -> memref<1x128x128xf32, #tpu.memory_space<vmem>>
    %dma_wait3A_102 = tpu.memref_squeeze %dma_wait3A_101 : memref<1x128x128xf32, #tpu.memory_space<vmem>> -> memref<128x128xf32, #tpu.memory_space<vmem>>
    %dma_wait3A_103 = arith.constant 0 : i32
    %dma_wait3A_104 = tpu.memref_slice %arg2[%add3A_88, %dma_wait3A_103] : memref<16384x128xf32, #tpu.memory_space<hbm>> -> memref<128x128xf32, #tpu.memory_space<hbm>>
    tpu.wait_dma2 semaphore(%dma_wait3A_98 : memref<!tpu.dma_semaphore, #tpu.memory_space<semaphore_mem>>) src(%dma_wait3A_104 : memref<128x128xf32, #tpu.memory_space<hbm>>) dst(%dma_wait3A_102 : memref<128x128xf32, #tpu.memory_space<vmem>>)
    %parallel_loop3A = arith.constant 0 : i32
    %parallel_loop3A_105 = arith.constant 128 : i32
    %parallel_loop3A_106 = arith.constant 1 : i32
    scf.for %parallel_loop3A_425 = %parallel_loop3A to %parallel_loop3A_105 step %parallel_loop3A_106  : i32 {
      %parallel_loop3A_426 = arith.constant 0 : i32
      %parallel_loop3A_427 = arith.index_cast %parallel_loop3A_426 : i32 to index
      %parallel_loop3A_428 = arith.index_cast %parallel_loop3A_425 : i32 to index
      %parallel_loop3A_429 = arith.constant 0 : index
      %parallel_loop3A_430 = tpu.vector_load %arg8[%parallel_loop3A_427, %parallel_loop3A_428, %parallel_loop3A_429] {strides = array<i32>} : memref<3x128x128xf32, #tpu.memory_space<vmem>>, vector<1x1x16xf32>,
      %parallel_loop3A_431 = vector.shape_cast %parallel_loop3A_430 : vector<1x1x16xf32> to vector<16xf32>
      %parallel_loop3A_432 = arith.constant 0 : i32
      %parallel_loop3A_433 = arith.index_cast %parallel_loop3A_432 : i32 to index
      %parallel_loop3A_434 = arith.index_cast %parallel_loop3A_425 : i32 to index
      %parallel_loop3A_435 = arith.constant 0 : index
      %parallel_loop3A_436 = tpu.vector_load %arg7[%parallel_loop3A_433, %parallel_loop3A_434, %parallel_loop3A_435] {strides = array<i32>} : memref<3x128x128xf32, #tpu.memory_space<vmem>>, vector<1x1x16xf32>,
      %parallel_loop3A_437 = vector.shape_cast %parallel_loop3A_436 : vector<1x1x16xf32> to vector<16xf32>
      %parallel_loop3A_438 = arith.mulf %parallel_loop3A_431, %parallel_loop3A_437 : vector<16xf32>
      %parallel_loop3A_439 = arith.constant 0 : i32
      %parallel_loop3A_440 = arith.index_cast %parallel_loop3A_439 : i32 to index
      %parallel_loop3A_441 = arith.index_cast %parallel_loop3A_425 : i32 to index
      %parallel_loop3A_442 = arith.constant 0 : index
      %parallel_loop3A_443 = tpu.vector_load %arg8[%parallel_loop3A_440, %parallel_loop3A_441, %parallel_loop3A_442] {strides = array<i32>} : memref<3x128x128xf32, #tpu.memory_space<vmem>>, vector<1x1x16xf32>,
      %parallel_loop3A_444 = vector.shape_cast %parallel_loop3A_443 : vector<1x1x16xf32> to vector<16xf32>
      %parallel_loop3A_445 = vector.shape_cast %parallel_loop3A_438 : vector<16xf32> to vector<1x1x16xf32>
      tpu.vector_store %arg8[%parallel_loop3A_440, %parallel_loop3A_441, %parallel_loop3A_442], %parallel_loop3A_445 {strides = array<i32>} : memref<3x128x128xf32, #tpu.memory_space<vmem>>, vector<1x1x16xf32>,
      %parallel_loop3A_446 = arith.constant 0 : i32
      %parallel_loop3A_447 = arith.index_cast %parallel_loop3A_446 : i32 to index
      %parallel_loop3A_448 = arith.index_cast %parallel_loop3A_425 : i32 to index
      %parallel_loop3A_449 = arith.constant 16 : index
      %parallel_loop3A_450 = tpu.vector_load %arg8[%parallel_loop3A_447, %parallel_loop3A_448, %parallel_loop3A_449] {strides = array<i32>} : memref<3x128x128xf32, #tpu.memory_space<vmem>>, vector<1x1x16xf32>,
      %parallel_loop3A_451 = vector.shape_cast %parallel_loop3A_450 : vector<1x1x16xf32> to vector<16xf32>
      %parallel_loop3A_452 = arith.constant 0 : i32
      %parallel_loop3A_453 = arith.index_cast %parallel_loop3A_452 : i32 to index
      %parallel_loop3A_454 = arith.index_cast %parallel_loop3A_425 : i32 to index
      %parallel_loop3A_455 = arith.constant 16 : index
      %parallel_loop3A_456 = tpu.vector_load %arg7[%parallel_loop3A_453, %parallel_loop3A_454, %parallel_loop3A_455] {strides = array<i32>} : memref<3x128x128xf32, #tpu.memory_space<vmem>>, vector<1x1x16xf32>,
      %parallel_loop3A_457 = vector.shape_cast %parallel_loop3A_456 : vector<1x1x16xf32> to vector<16xf32>
      %parallel_loop3A_458 = arith.mulf %parallel_loop3A_451, %parallel_loop3A_457 : vector<16xf32>
      %parallel_loop3A_459 = arith.constant 0 : i32
      %parallel_loop3A_460 = arith.index_cast %parallel_loop3A_459 : i32 to index
      %parallel_loop3A_461 = arith.index_cast %parallel_loop3A_425 : i32 to index
      %parallel_loop3A_462 = arith.constant 16 : index
      %parallel_loop3A_463 = tpu.vector_load %arg8[%parallel_loop3A_460, %parallel_loop3A_461, %parallel_loop3A_462] {strides = array<i32>} : memref<3x128x128xf32, #tpu.memory_space<vmem>>, vector<1x1x16xf32>,
      %parallel_loop3A_464 = vector.shape_cast %parallel_loop3A_463 : vector<1x1x16xf32> to vector<16xf32>
      %parallel_loop3A_465 = vector.shape_cast %parallel_loop3A_458 : vector<16xf32> to vector<1x1x16xf32>
      tpu.vector_store %arg8[%parallel_loop3A_460, %parallel_loop3A_461, %parallel_loop3A_462], %parallel_loop3A_465 {strides = array<i32>} : memref<3x128x128xf32, #tpu.memory_space<vmem>>, vector<1x1x16xf32>,
      %parallel_loop3A_466 = arith.constant 0 : i32
      %parallel_loop3A_467 = arith.index_cast %parallel_loop3A_466 : i32 to index
      %parallel_loop3A_468 = arith.index_cast %parallel_loop3A_425 : i32 to index
      %parallel_loop3A_469 = arith.constant 32 : index
      %parallel_loop3A_470 = tpu.vector_load %arg8[%parallel_loop3A_467, %parallel_loop3A_468, %parallel_loop3A_469] {strides = array<i32>} : memref<3x128x128xf32, #tpu.memory_space<vmem>>, vector<1x1x16xf32>,
      %parallel_loop3A_471 = vector.shape_cast %parallel_loop3A_470 : vector<1x1x16xf32> to vector<16xf32>
      %parallel_loop3A_472 = arith.constant 0 : i32
      %parallel_loop3A_473 = arith.index_cast %parallel_loop3A_472 : i32 to index
      %parallel_loop3A_474 = arith.index_cast %parallel_loop3A_425 : i32 to index
      %parallel_loop3A_475 = arith.constant 32 : index
      %parallel_loop3A_476 = tpu.vector_load %arg7[%parallel_loop3A_473, %parallel_loop3A_474, %parallel_loop3A_475] {strides = array<i32>} : memref<3x128x128xf32, #tpu.memory_space<vmem>>, vector<1x1x16xf32>,
      %parallel_loop3A_477 = vector.shape_cast %parallel_loop3A_476 : vector<1x1x16xf32> to vector<16xf32>
      %parallel_loop3A_478 = arith.mulf %parallel_loop3A_471, %parallel_loop3A_477 : vector<16xf32>
      %parallel_loop3A_479 = arith.constant 0 : i32
      %parallel_loop3A_480 = arith.index_cast %parallel_loop3A_479 : i32 to index
      %parallel_loop3A_481 = arith.index_cast %parallel_loop3A_425 : i32 to index
      %parallel_loop3A_482 = arith.constant 32 : index
      %parallel_loop3A_483 = tpu.vector_load %arg8[%parallel_loop3A_480, %parallel_loop3A_481, %parallel_loop3A_482] {strides = array<i32>} : memref<3x128x128xf32, #tpu.memory_space<vmem>>, vector<1x1x16xf32>,
      %parallel_loop3A_484 = vector.shape_cast %parallel_loop3A_483 : vector<1x1x16xf32> to vector<16xf32>
      %parallel_loop3A_485 = vector.shape_cast %parallel_loop3A_478 : vector<16xf32> to vector<1x1x16xf32>
      tpu.vector_store %arg8[%parallel_loop3A_480, %parallel_loop3A_481, %parallel_loop3A_482], %parallel_loop3A_485 {strides = array<i32>} : memref<3x128x128xf32, #tpu.memory_space<vmem>>, vector<1x1x16xf32>,
      %parallel_loop3A_486 = arith.constant 0 : i32
      %parallel_loop3A_487 = arith.index_cast %parallel_loop3A_486 : i32 to index
      %parallel_loop3A_488 = arith.index_cast %parallel_loop3A_425 : i32 to index
      %parallel_loop3A_489 = arith.constant 48 : index
      %parallel_loop3A_490 = tpu.vector_load %arg8[%parallel_loop3A_487, %parallel_loop3A_488, %parallel_loop3A_489] {strides = array<i32>} : memref<3x128x128xf32, #tpu.memory_space<vmem>>, vector<1x1x16xf32>,
      %parallel_loop3A_491 = vector.shape_cast %parallel_loop3A_490 : vector<1x1x16xf32> to vector<16xf32>
      %parallel_loop3A_492 = arith.constant 0 : i32
      %parallel_loop3A_493 = arith.index_cast %parallel_loop3A_492 : i32 to index
      %parallel_loop3A_494 = arith.index_cast %parallel_loop3A_425 : i32 to index
      %parallel_loop3A_495 = arith.constant 48 : index
      %parallel_loop3A_496 = tpu.vector_load %arg7[%parallel_loop3A_493, %parallel_loop3A_494, %parallel_loop3A_495] {strides = array<i32>} : memref<3x128x128xf32, #tpu.memory_space<vmem>>, vector<1x1x16xf32>,
      %parallel_loop3A_497 = vector.shape_cast %parallel_loop3A_496 : vector<1x1x16xf32> to vector<16xf32>
      %parallel_loop3A_498 = arith.mulf %parallel_loop3A_491, %parallel_loop3A_497 : vector<16xf32>
      %parallel_loop3A_499 = arith.constant 0 : i32
      %parallel_loop3A_500 = arith.index_cast %parallel_loop3A_499 : i32 to index
      %parallel_loop3A_501 = arith.index_cast %parallel_loop3A_425 : i32 to index
      %parallel_loop3A_502 = arith.constant 48 : index
      %parallel_loop3A_503 = tpu.vector_load %arg8[%parallel_loop3A_500, %parallel_loop3A_501, %parallel_loop3A_502] {strides = array<i32>} : memref<3x128x128xf32, #tpu.memory_space<vmem>>, vector<1x1x16xf32>,
      %parallel_loop3A_504 = vector.shape_cast %parallel_loop3A_503 : vector<1x1x16xf32> to vector<16xf32>
      %parallel_loop3A_505 = vector.shape_cast %parallel_loop3A_498 : vector<16xf32> to vector<1x1x16xf32>
      tpu.vector_store %arg8[%parallel_loop3A_500, %parallel_loop3A_501, %parallel_loop3A_502], %parallel_loop3A_505 {strides = array<i32>} : memref<3x128x128xf32, #tpu.memory_space<vmem>>, vector<1x1x16xf32>,
      %parallel_loop3A_506 = arith.constant 0 : i32
      %parallel_loop3A_507 = arith.index_cast %parallel_loop3A_506 : i32 to index
      %parallel_loop3A_508 = arith.index_cast %parallel_loop3A_425 : i32 to index
      %parallel_loop3A_509 = arith.constant 64 : index
      %parallel_loop3A_510 = tpu.vector_load %arg8[%parallel_loop3A_507, %parallel_loop3A_508, %parallel_loop3A_509] {strides = array<i32>} : memref<3x128x128xf32, #tpu.memory_space<vmem>>, vector<1x1x16xf32>,
      %parallel_loop3A_511 = vector.shape_cast %parallel_loop3A_510 : vector<1x1x16xf32> to vector<16xf32>
      %parallel_loop3A_512 = arith.constant 0 : i32
      %parallel_loop3A_513 = arith.index_cast %parallel_loop3A_512 : i32 to index
      %parallel_loop3A_514 = arith.index_cast %parallel_loop3A_425 : i32 to index
      %parallel_loop3A_515 = arith.constant 64 : index
      %parallel_loop3A_516 = tpu.vector_load %arg7[%parallel_loop3A_513, %parallel_loop3A_514, %parallel_loop3A_515] {strides = array<i32>} : memref<3x128x128xf32, #tpu.memory_space<vmem>>, vector<1x1x16xf32>,
      %parallel_loop3A_517 = vector.shape_cast %parallel_loop3A_516 : vector<1x1x16xf32> to vector<16xf32>
      %parallel_loop3A_518 = arith.mulf %parallel_loop3A_511, %parallel_loop3A_517 : vector<16xf32>
      %parallel_loop3A_519 = arith.constant 0 : i32
      %parallel_loop3A_520 = arith.index_cast %parallel_loop3A_519 : i32 to index
      %parallel_loop3A_521 = arith.index_cast %parallel_loop3A_425 : i32 to index
      %parallel_loop3A_522 = arith.constant 64 : index
      %parallel_loop3A_523 = tpu.vector_load %arg8[%parallel_loop3A_520, %parallel_loop3A_521, %parallel_loop3A_522] {strides = array<i32>} : memref<3x128x128xf32, #tpu.memory_space<vmem>>, vector<1x1x16xf32>,
      %parallel_loop3A_524 = vector.shape_cast %parallel_loop3A_523 : vector<1x1x16xf32> to vector<16xf32>
      %parallel_loop3A_525 = vector.shape_cast %parallel_loop3A_518 : vector<16xf32> to vector<1x1x16xf32>
      tpu.vector_store %arg8[%parallel_loop3A_520, %parallel_loop3A_521, %parallel_loop3A_522], %parallel_loop3A_525 {strides = array<i32>} : memref<3x128x128xf32, #tpu.memory_space<vmem>>, vector<1x1x16xf32>,
      %parallel_loop3A_526 = arith.constant 0 : i32
      %parallel_loop3A_527 = arith.index_cast %parallel_loop3A_526 : i32 to index
      %parallel_loop3A_528 = arith.index_cast %parallel_loop3A_425 : i32 to index
      %parallel_loop3A_529 = arith.constant 80 : index
      %parallel_loop3A_530 = tpu.vector_load %arg8[%parallel_loop3A_527, %parallel_loop3A_528, %parallel_loop3A_529] {strides = array<i32>} : memref<3x128x128xf32, #tpu.memory_space<vmem>>, vector<1x1x16xf32>,
      %parallel_loop3A_531 = vector.shape_cast %parallel_loop3A_530 : vector<1x1x16xf32> to vector<16xf32>
      %parallel_loop3A_532 = arith.constant 0 : i32
      %parallel_loop3A_533 = arith.index_cast %parallel_loop3A_532 : i32 to index
      %parallel_loop3A_534 = arith.index_cast %parallel_loop3A_425 : i32 to index
      %parallel_loop3A_535 = arith.constant 80 : index
      %parallel_loop3A_536 = tpu.vector_load %arg7[%parallel_loop3A_533, %parallel_loop3A_534, %parallel_loop3A_535] {strides = array<i32>} : memref<3x128x128xf32, #tpu.memory_space<vmem>>, vector<1x1x16xf32>,
      %parallel_loop3A_537 = vector.shape_cast %parallel_loop3A_536 : vector<1x1x16xf32> to vector<16xf32>
      %parallel_loop3A_538 = arith.mulf %parallel_loop3A_531, %parallel_loop3A_537 : vector<16xf32>
      %parallel_loop3A_539 = arith.constant 0 : i32
      %parallel_loop3A_540 = arith.index_cast %parallel_loop3A_539 : i32 to index
      %parallel_loop3A_541 = arith.index_cast %parallel_loop3A_425 : i32 to index
      %parallel_loop3A_542 = arith.constant 80 : index
      %parallel_loop3A_543 = tpu.vector_load %arg8[%parallel_loop3A_540, %parallel_loop3A_541, %parallel_loop3A_542] {strides = array<i32>} : memref<3x128x128xf32, #tpu.memory_space<vmem>>, vector<1x1x16xf32>,
      %parallel_loop3A_544 = vector.shape_cast %parallel_loop3A_543 : vector<1x1x16xf32> to vector<16xf32>
      %parallel_loop3A_545 = vector.shape_cast %parallel_loop3A_538 : vector<16xf32> to vector<1x1x16xf32>
      tpu.vector_store %arg8[%parallel_loop3A_540, %parallel_loop3A_541, %parallel_loop3A_542], %parallel_loop3A_545 {strides = array<i32>} : memref<3x128x128xf32, #tpu.memory_space<vmem>>, vector<1x1x16xf32>,
      %parallel_loop3A_546 = arith.constant 0 : i32
      %parallel_loop3A_547 = arith.index_cast %parallel_loop3A_546 : i32 to index
      %parallel_loop3A_548 = arith.index_cast %parallel_loop3A_425 : i32 to index
      %parallel_loop3A_549 = arith.constant 96 : index
      %parallel_loop3A_550 = tpu.vector_load %arg8[%parallel_loop3A_547, %parallel_loop3A_548, %parallel_loop3A_549] {strides = array<i32>} : memref<3x128x128xf32, #tpu.memory_space<vmem>>, vector<1x1x16xf32>,
      %parallel_loop3A_551 = vector.shape_cast %parallel_loop3A_550 : vector<1x1x16xf32> to vector<16xf32>
      %parallel_loop3A_552 = arith.constant 0 : i32
      %parallel_loop3A_553 = arith.index_cast %parallel_loop3A_552 : i32 to index
      %parallel_loop3A_554 = arith.index_cast %parallel_loop3A_425 : i32 to index
      %parallel_loop3A_555 = arith.constant 96 : index
      %parallel_loop3A_556 = tpu.vector_load %arg7[%parallel_loop3A_553, %parallel_loop3A_554, %parallel_loop3A_555] {strides = array<i32>} : memref<3x128x128xf32, #tpu.memory_space<vmem>>, vector<1x1x16xf32>,
      %parallel_loop3A_557 = vector.shape_cast %parallel_loop3A_556 : vector<1x1x16xf32> to vector<16xf32>
      %parallel_loop3A_558 = arith.mulf %parallel_loop3A_551, %parallel_loop3A_557 : vector<16xf32>
      %parallel_loop3A_559 = arith.constant 0 : i32
      %parallel_loop3A_560 = arith.index_cast %parallel_loop3A_559 : i32 to index
      %parallel_loop3A_561 = arith.index_cast %parallel_loop3A_425 : i32 to index
      %parallel_loop3A_562 = arith.constant 96 : index
      %parallel_loop3A_563 = tpu.vector_load %arg8[%parallel_loop3A_560, %parallel_loop3A_561, %parallel_loop3A_562] {strides = array<i32>} : memref<3x128x128xf32, #tpu.memory_space<vmem>>, vector<1x1x16xf32>,
      %parallel_loop3A_564 = vector.shape_cast %parallel_loop3A_563 : vector<1x1x16xf32> to vector<16xf32>
      %parallel_loop3A_565 = vector.shape_cast %parallel_loop3A_558 : vector<16xf32> to vector<1x1x16xf32>
      tpu.vector_store %arg8[%parallel_loop3A_560, %parallel_loop3A_561, %parallel_loop3A_562], %parallel_loop3A_565 {strides = array<i32>} : memref<3x128x128xf32, #tpu.memory_space<vmem>>, vector<1x1x16xf32>,
      %parallel_loop3A_566 = arith.constant 0 : i32
      %parallel_loop3A_567 = arith.index_cast %parallel_loop3A_566 : i32 to index
      %parallel_loop3A_568 = arith.index_cast %parallel_loop3A_425 : i32 to index
      %parallel_loop3A_569 = arith.constant 112 : index
      %parallel_loop3A_570 = tpu.vector_load %arg8[%parallel_loop3A_567, %parallel_loop3A_568, %parallel_loop3A_569] {strides = array<i32>} : memref<3x128x128xf32, #tpu.memory_space<vmem>>, vector<1x1x16xf32>,
      %parallel_loop3A_571 = vector.shape_cast %parallel_loop3A_570 : vector<1x1x16xf32> to vector<16xf32>
      %parallel_loop3A_572 = arith.constant 0 : i32
      %parallel_loop3A_573 = arith.index_cast %parallel_loop3A_572 : i32 to index
      %parallel_loop3A_574 = arith.index_cast %parallel_loop3A_425 : i32 to index
      %parallel_loop3A_575 = arith.constant 112 : index
      %parallel_loop3A_576 = tpu.vector_load %arg7[%parallel_loop3A_573, %parallel_loop3A_574, %parallel_loop3A_575] {strides = array<i32>} : memref<3x128x128xf32, #tpu.memory_space<vmem>>, vector<1x1x16xf32>,
      %parallel_loop3A_577 = vector.shape_cast %parallel_loop3A_576 : vector<1x1x16xf32> to vector<16xf32>
      %parallel_loop3A_578 = arith.mulf %parallel_loop3A_571, %parallel_loop3A_577 : vector<16xf32>
      %parallel_loop3A_579 = arith.constant 0 : i32
      %parallel_loop3A_580 = arith.index_cast %parallel_loop3A_579 : i32 to index
      %parallel_loop3A_581 = arith.index_cast %parallel_loop3A_425 : i32 to index
      %parallel_loop3A_582 = arith.constant 112 : index
      %parallel_loop3A_583 = tpu.vector_load %arg8[%parallel_loop3A_580, %parallel_loop3A_581, %parallel_loop3A_582] {strides = array<i32>} : memref<3x128x128xf32, #tpu.memory_space<vmem>>, vector<1x1x16xf32>,
      %parallel_loop3A_584 = vector.shape_cast %parallel_loop3A_583 : vector<1x1x16xf32> to vector<16xf32>
      %parallel_loop3A_585 = vector.shape_cast %parallel_loop3A_578 : vector<16xf32> to vector<1x1x16xf32>
      tpu.vector_store %arg8[%parallel_loop3A_580, %parallel_loop3A_581, %parallel_loop3A_582], %parallel_loop3A_585 {strides = array<i32>} : memref<3x128x128xf32, #tpu.memory_space<vmem>>, vector<1x1x16xf32>,
    } {sc.loop_unroll_factor = 4 : i64, sc.parallel_access}
    %add3A_107 = arith.constant 0 : i32
    %add3A_108 = arith.addi %mul3A_2, %add3A_107 : i32
    %dma_start3A_109 = arith.constant 0 : i32
    %dma_start3A_110 = arith.constant 0 : i32
    %dma_start3A_111 = arith.constant 0 : i32
    %dma_start3A_112 = arith.constant 0 : i32
    %dma_start3A_113 = tpu.memref_slice %arg8[%dma_start3A_109, %dma_start3A_111, %dma_start3A_112] : memref<3x128x128xf32, #tpu.memory_space<vmem>> -> memref<1x128x128xf32, #tpu.memory_space<vmem>>
    %dma_start3A_114 = tpu.memref_squeeze %dma_start3A_113 : memref<1x128x128xf32, #tpu.memory_space<vmem>> -> memref<128x128xf32, #tpu.memory_space<vmem>>
    %dma_start3A_115 = arith.constant 0 : i32
    %dma_start3A_116 = tpu.memref_slice %arg5[%add3A_108, %dma_start3A_115] : memref<16384x128xf32, #tpu.memory_space<hbm>> -> memref<128x128xf32, #tpu.memory_space<hbm>>
    %dma_start3A_117 = tpu.memref_slice %arg12[%dma_start3A_110] : memref<3x!tpu.dma_semaphore, #tpu.memory_space<semaphore_mem>> -> memref<1x!tpu.dma_semaphore, #tpu.memory_space<semaphore_mem>>
    %dma_start3A_118 = tpu.memref_squeeze %dma_start3A_117 : memref<1x!tpu.dma_semaphore, #tpu.memory_space<semaphore_mem>> -> memref<!tpu.dma_semaphore, #tpu.memory_space<semaphore_mem>>
    %dma_start3A_119 = arith.constant 0 : i32
    %dma_start3A_120 = tpu.memref_slice %arg5[%add3A_108, %dma_start3A_119] : memref<16384x128xf32, #tpu.memory_space<hbm>> -> memref<128x128xf32, #tpu.memory_space<hbm>>
    %dma_start3A_121 = arith.constant 0 : i32
    %dma_start3A_122 = arith.constant 0 : i32
    %dma_start3A_123 = tpu.memref_slice %arg8[%dma_start3A_109, %dma_start3A_121, %dma_start3A_122] : memref<3x128x128xf32, #tpu.memory_space<vmem>> -> memref<1x128x128xf32, #tpu.memory_space<vmem>>
    %dma_start3A_124 = tpu.memref_squeeze %dma_start3A_123 : memref<1x128x128xf32, #tpu.memory_space<vmem>> -> memref<128x128xf32, #tpu.memory_space<vmem>>
    tpu.enqueue_dma source(%dma_start3A_124 : memref<128x128xf32, #tpu.memory_space<vmem>>) target(%dma_start3A_120 : memref<128x128xf32, #tpu.memory_space<hbm>>) target_semaphore(%dma_start3A_118 : memref<!tpu.dma_semaphore, #tpu.memory_space<semaphore_mem>>)
    %dma_start3A_125 = arith.constant 2 : i32
    %dma_start3A_126 = arith.constant 2 : i32
    %dma_start3A_127 = arith.constant 2 : i32
    %dma_start3A_128 = arith.constant 0 : i32
    %dma_start3A_129 = arith.constant 0 : i32
    %dma_start3A_130 = tpu.memref_slice %arg7[%dma_start3A_126, %dma_start3A_128, %dma_start3A_129] : memref<3x128x128xf32, #tpu.memory_space<vmem>> -> memref<1x128x128xf32, #tpu.memory_space<vmem>>
    %dma_start3A_131 = tpu.memref_squeeze %dma_start3A_130 : memref<1x128x128xf32, #tpu.memory_space<vmem>> -> memref<128x128xf32, #tpu.memory_space<vmem>>
    %dma_start3A_132 = arith.constant 0 : i32
    %dma_start3A_133 = tpu.memref_slice %arg6[%dma_start3A_125, %dma_start3A_132] : memref<4x128xi32, #tpu.memory_space<vmem>> -> memref<1x128xi32, #tpu.memory_space<vmem>>
    %dma_start3A_134 = tpu.memref_squeeze %dma_start3A_133 : memref<1x128xi32, #tpu.memory_space<vmem>> -> memref<128xi32, #tpu.memory_space<vmem>>
    %dma_start3A_135 = arith.constant 0 : i32
    %dma_start3A_136 = arith.constant 0 : i32
    %dma_start3A_137 = tpu.memref_slice %arg9[%dma_start3A_135, %dma_start3A_136] : memref<1000x128xf32, #tpu.memory_space<vmem_shared>> -> memref<1000x128xf32, #tpu.memory_space<vmem_shared>>
    %dma_start3A_138 = tpu.memref_slice %arg10[%dma_start3A_127] : memref<3x!tpu.dma_semaphore, #tpu.memory_space<semaphore_mem>> -> memref<1x!tpu.dma_semaphore, #tpu.memory_space<semaphore_mem>>
    %dma_start3A_139 = tpu.memref_squeeze %dma_start3A_138 : memref<1x!tpu.dma_semaphore, #tpu.memory_space<semaphore_mem>> -> memref<!tpu.dma_semaphore, #tpu.memory_space<semaphore_mem>>
    tpu.enqueue_indirect_dma source(%dma_start3A_137 : memref<1000x128xf32, #tpu.memory_space<vmem_shared>>) target(%dma_start3A_131 : memref<128x128xf32, #tpu.memory_space<vmem>>) offsets(%dma_start3A_134 : memref<128xi32, #tpu.memory_space<vmem>>) semaphore(%dma_start3A_139 : memref<!tpu.dma_semaphore, #tpu.memory_space<semaphore_mem>>)
    %add3A_140 = arith.constant 256 : i32
    %add3A_141 = arith.addi %mul3A_2, %add3A_140 : i32
    %dma_start3A_142 = arith.constant 2 : i32
    %dma_start3A_143 = arith.constant 2 : i32
    %dma_start3A_144 = arith.constant 0 : i32
    %dma_start3A_145 = arith.constant 0 : i32
    %dma_start3A_146 = tpu.memref_slice %arg8[%dma_start3A_142, %dma_start3A_144, %dma_start3A_145] : memref<3x128x128xf32, #tpu.memory_space<vmem>> -> memref<1x128x128xf32, #tpu.memory_space<vmem>>
    %dma_start3A_147 = tpu.memref_squeeze %dma_start3A_146 : memref<1x128x128xf32, #tpu.memory_space<vmem>> -> memref<128x128xf32, #tpu.memory_space<vmem>>
    %dma_start3A_148 = arith.constant 0 : i32
    %dma_start3A_149 = tpu.memref_slice %arg2[%add3A_141, %dma_start3A_148] : memref<16384x128xf32, #tpu.memory_space<hbm>> -> memref<128x128xf32, #tpu.memory_space<hbm>>
    %dma_start3A_150 = tpu.memref_slice %arg11[%dma_start3A_143] : memref<3x!tpu.dma_semaphore, #tpu.memory_space<semaphore_mem>> -> memref<1x!tpu.dma_semaphore, #tpu.memory_space<semaphore_mem>>
    %dma_start3A_151 = tpu.memref_squeeze %dma_start3A_150 : memref<1x!tpu.dma_semaphore, #tpu.memory_space<semaphore_mem>> -> memref<!tpu.dma_semaphore, #tpu.memory_space<semaphore_mem>>
    %dma_start3A_152 = arith.constant 0 : i32
    %dma_start3A_153 = arith.constant 0 : i32
    %dma_start3A_154 = tpu.memref_slice %arg8[%dma_start3A_142, %dma_start3A_152, %dma_start3A_153] : memref<3x128x128xf32, #tpu.memory_space<vmem>> -> memref<1x128x128xf32, #tpu.memory_space<vmem>>
    %dma_start3A_155 = tpu.memref_squeeze %dma_start3A_154 : memref<1x128x128xf32, #tpu.memory_space<vmem>> -> memref<128x128xf32, #tpu.memory_space<vmem>>
    %dma_start3A_156 = arith.constant 0 : i32
    %dma_start3A_157 = tpu.memref_slice %arg2[%add3A_141, %dma_start3A_156] : memref<16384x128xf32, #tpu.memory_space<hbm>> -> memref<128x128xf32, #tpu.memory_space<hbm>>
    tpu.enqueue_dma source(%dma_start3A_157 : memref<128x128xf32, #tpu.memory_space<hbm>>) target(%dma_start3A_155 : memref<128x128xf32, #tpu.memory_space<vmem>>) target_semaphore(%dma_start3A_151 : memref<!tpu.dma_semaphore, #tpu.memory_space<semaphore_mem>>)
    %dma_wait3A_158 = arith.constant 1 : i32
    %dma_wait3A_159 = arith.constant 1 : i32
    %dma_wait3A_160 = arith.constant 1 : i32
    %dma_wait3A_161 = arith.constant 0 : i32
    %dma_wait3A_162 = arith.constant 0 : i32
    %dma_wait3A_163 = tpu.memref_slice %arg7[%dma_wait3A_159, %dma_wait3A_161, %dma_wait3A_162] : memref<3x128x128xf32, #tpu.memory_space<vmem>> -> memref<1x128x128xf32, #tpu.memory_space<vmem>>
    %dma_wait3A_164 = tpu.memref_squeeze %dma_wait3A_163 : memref<1x128x128xf32, #tpu.memory_space<vmem>> -> memref<128x128xf32, #tpu.memory_space<vmem>>
    %dma_wait3A_165 = arith.constant 0 : i32
    %dma_wait3A_166 = tpu.memref_slice %arg6[%dma_wait3A_158, %dma_wait3A_165] : memref<4x128xi32, #tpu.memory_space<vmem>> -> memref<1x128xi32, #tpu.memory_space<vmem>>
    %dma_wait3A_167 = tpu.memref_squeeze %dma_wait3A_166 : memref<1x128xi32, #tpu.memory_space<vmem>> -> memref<128xi32, #tpu.memory_space<vmem>>
    %dma_wait3A_168 = arith.constant 0 : i32
    %dma_wait3A_169 = arith.constant 0 : i32
    %dma_wait3A_170 = tpu.memref_slice %arg9[%dma_wait3A_168, %dma_wait3A_169] : memref<1000x128xf32, #tpu.memory_space<vmem_shared>> -> memref<1000x128xf32, #tpu.memory_space<vmem_shared>>
    %dma_wait3A_171 = tpu.memref_slice %arg10[%dma_wait3A_160] : memref<3x!tpu.dma_semaphore, #tpu.memory_space<semaphore_mem>> -> memref<1x!tpu.dma_semaphore, #tpu.memory_space<semaphore_mem>>
    %dma_wait3A_172 = tpu.memref_squeeze %dma_wait3A_171 : memref<1x!tpu.dma_semaphore, #tpu.memory_space<semaphore_mem>> -> memref<!tpu.dma_semaphore, #tpu.memory_space<semaphore_mem>>
    tpu.wait_indirect_dma semaphore(%dma_wait3A_172 : memref<!tpu.dma_semaphore, #tpu.memory_space<semaphore_mem>>) src(%dma_wait3A_170 : memref<1000x128xf32, #tpu.memory_space<vmem_shared>>) dst(%dma_wait3A_164 : memref<128x128xf32, #tpu.memory_space<vmem>>)
    %add3A_173 = arith.constant 128 : i32
    %add3A_174 = arith.addi %mul3A_2, %add3A_173 : i32
    %dma_wait3A_175 = arith.constant 1 : i32
    %dma_wait3A_176 = arith.constant 1 : i32
    %dma_wait3A_177 = arith.constant 0 : i32
    %dma_wait3A_178 = arith.constant 0 : i32
    %dma_wait3A_179 = tpu.memref_slice %arg8[%dma_wait3A_175, %dma_wait3A_177, %dma_wait3A_178] : memref<3x128x128xf32, #tpu.memory_space<vmem>> -> memref<1x128x128xf32, #tpu.memory_space<vmem>>
    %dma_wait3A_180 = tpu.memref_squeeze %dma_wait3A_179 : memref<1x128x128xf32, #tpu.memory_space<vmem>> -> memref<128x128xf32, #tpu.memory_space<vmem>>
    %dma_wait3A_181 = arith.constant 0 : i32
    %dma_wait3A_182 = tpu.memref_slice %arg2[%add3A_174, %dma_wait3A_181] : memref<16384x128xf32, #tpu.memory_space<hbm>> -> memref<128x128xf32, #tpu.memory_space<hbm>>
    %dma_wait3A_183 = tpu.memref_slice %arg11[%dma_wait3A_176] : memref<3x!tpu.dma_semaphore, #tpu.memory_space<semaphore_mem>> -> memref<1x!tpu.dma_semaphore, #tpu.memory_space<semaphore_mem>>
    %dma_wait3A_184 = tpu.memref_squeeze %dma_wait3A_183 : memref<1x!tpu.dma_semaphore, #tpu.memory_space<semaphore_mem>> -> memref<!tpu.dma_semaphore, #tpu.memory_space<semaphore_mem>>
    %dma_wait3A_185 = arith.constant 0 : i32
    %dma_wait3A_186 = arith.constant 0 : i32
    %dma_wait3A_187 = tpu.memref_slice %arg8[%dma_wait3A_175, %dma_wait3A_185, %dma_wait3A_186] : memref<3x128x128xf32, #tpu.memory_space<vmem>> -> memref<1x128x128xf32, #tpu.memory_space<vmem>>
    %dma_wait3A_188 = tpu.memref_squeeze %dma_wait3A_187 : memref<1x128x128xf32, #tpu.memory_space<vmem>> -> memref<128x128xf32, #tpu.memory_space<vmem>>
    %dma_wait3A_189 = arith.constant 0 : i32
    %dma_wait3A_190 = tpu.memref_slice %arg2[%add3A_174, %dma_wait3A_189] : memref<16384x128xf32, #tpu.memory_space<hbm>> -> memref<128x128xf32, #tpu.memory_space<hbm>>
    tpu.wait_dma2 semaphore(%dma_wait3A_184 : memref<!tpu.dma_semaphore, #tpu.memory_space<semaphore_mem>>) src(%dma_wait3A_190 : memref<128x128xf32, #tpu.memory_space<hbm>>) dst(%dma_wait3A_188 : memref<128x128xf32, #tpu.memory_space<vmem>>)
    %parallel_loop3A_191 = arith.constant 0 : i32
    %parallel_loop3A_192 = arith.constant 128 : i32
    %parallel_loop3A_193 = arith.constant 1 : i32
    scf.for %parallel_loop3A_425 = %parallel_loop3A_191 to %parallel_loop3A_192 step %parallel_loop3A_193  : i32 {
      %parallel_loop3A_426 = arith.constant 1 : i32
      %parallel_loop3A_427 = arith.index_cast %parallel_loop3A_426 : i32 to index
      %parallel_loop3A_428 = arith.index_cast %parallel_loop3A_425 : i32 to index
      %parallel_loop3A_429 = arith.constant 0 : index
      %parallel_loop3A_430 = tpu.vector_load %arg8[%parallel_loop3A_427, %parallel_loop3A_428, %parallel_loop3A_429] {strides = array<i32>} : memref<3x128x128xf32, #tpu.memory_space<vmem>>, vector<1x1x16xf32>,
      %parallel_loop3A_431 = vector.shape_cast %parallel_loop3A_430 : vector<1x1x16xf32> to vector<16xf32>
      %parallel_loop3A_432 = arith.constant 1 : i32
      %parallel_loop3A_433 = arith.index_cast %parallel_loop3A_432 : i32 to index
      %parallel_loop3A_434 = arith.index_cast %parallel_loop3A_425 : i32 to index
      %parallel_loop3A_435 = arith.constant 0 : index
      %parallel_loop3A_436 = tpu.vector_load %arg7[%parallel_loop3A_433, %parallel_loop3A_434, %parallel_loop3A_435] {strides = array<i32>} : memref<3x128x128xf32, #tpu.memory_space<vmem>>, vector<1x1x16xf32>,
      %parallel_loop3A_437 = vector.shape_cast %parallel_loop3A_436 : vector<1x1x16xf32> to vector<16xf32>
      %parallel_loop3A_438 = arith.mulf %parallel_loop3A_431, %parallel_loop3A_437 : vector<16xf32>
      %parallel_loop3A_439 = arith.constant 1 : i32
      %parallel_loop3A_440 = arith.index_cast %parallel_loop3A_439 : i32 to index
      %parallel_loop3A_441 = arith.index_cast %parallel_loop3A_425 : i32 to index
      %parallel_loop3A_442 = arith.constant 0 : index
      %parallel_loop3A_443 = tpu.vector_load %arg8[%parallel_loop3A_440, %parallel_loop3A_441, %parallel_loop3A_442] {strides = array<i32>} : memref<3x128x128xf32, #tpu.memory_space<vmem>>, vector<1x1x16xf32>,
      %parallel_loop3A_444 = vector.shape_cast %parallel_loop3A_443 : vector<1x1x16xf32> to vector<16xf32>
      %parallel_loop3A_445 = vector.shape_cast %parallel_loop3A_438 : vector<16xf32> to vector<1x1x16xf32>
      tpu.vector_store %arg8[%parallel_loop3A_440, %parallel_loop3A_441, %parallel_loop3A_442], %parallel_loop3A_445 {strides = array<i32>} : memref<3x128x128xf32, #tpu.memory_space<vmem>>, vector<1x1x16xf32>,
      %parallel_loop3A_446 = arith.constant 1 : i32
      %parallel_loop3A_447 = arith.index_cast %parallel_loop3A_446 : i32 to index
      %parallel_loop3A_448 = arith.index_cast %parallel_loop3A_425 : i32 to index
      %parallel_loop3A_449 = arith.constant 16 : index
      %parallel_loop3A_450 = tpu.vector_load %arg8[%parallel_loop3A_447, %parallel_loop3A_448, %parallel_loop3A_449] {strides = array<i32>} : memref<3x128x128xf32, #tpu.memory_space<vmem>>, vector<1x1x16xf32>,
      %parallel_loop3A_451 = vector.shape_cast %parallel_loop3A_450 : vector<1x1x16xf32> to vector<16xf32>
      %parallel_loop3A_452 = arith.constant 1 : i32
      %parallel_loop3A_453 = arith.index_cast %parallel_loop3A_452 : i32 to index
      %parallel_loop3A_454 = arith.index_cast %parallel_loop3A_425 : i32 to index
      %parallel_loop3A_455 = arith.constant 16 : index
      %parallel_loop3A_456 = tpu.vector_load %arg7[%parallel_loop3A_453, %parallel_loop3A_454, %parallel_loop3A_455] {strides = array<i32>} : memref<3x128x128xf32, #tpu.memory_space<vmem>>, vector<1x1x16xf32>,
      %parallel_loop3A_457 = vector.shape_cast %parallel_loop3A_456 : vector<1x1x16xf32> to vector<16xf32>
      %parallel_loop3A_458 = arith.mulf %parallel_loop3A_451, %parallel_loop3A_457 : vector<16xf32>
      %parallel_loop3A_459 = arith.constant 1 : i32
      %parallel_loop3A_460 = arith.index_cast %parallel_loop3A_459 : i32 to index
      %parallel_loop3A_461 = arith.index_cast %parallel_loop3A_425 : i32 to index
      %parallel_loop3A_462 = arith.constant 16 : index
      %parallel_loop3A_463 = tpu.vector_load %arg8[%parallel_loop3A_460, %parallel_loop3A_461, %parallel_loop3A_462] {strides = array<i32>} : memref<3x128x128xf32, #tpu.memory_space<vmem>>, vector<1x1x16xf32>,
      %parallel_loop3A_464 = vector.shape_cast %parallel_loop3A_463 : vector<1x1x16xf32> to vector<16xf32>
      %parallel_loop3A_465 = vector.shape_cast %parallel_loop3A_458 : vector<16xf32> to vector<1x1x16xf32>
      tpu.vector_store %arg8[%parallel_loop3A_460, %parallel_loop3A_461, %parallel_loop3A_462], %parallel_loop3A_465 {strides = array<i32>} : memref<3x128x128xf32, #tpu.memory_space<vmem>>, vector<1x1x16xf32>,
      %parallel_loop3A_466 = arith.constant 1 : i32
      %parallel_loop3A_467 = arith.index_cast %parallel_loop3A_466 : i32 to index
      %parallel_loop3A_468 = arith.index_cast %parallel_loop3A_425 : i32 to index
      %parallel_loop3A_469 = arith.constant 32 : index
      %parallel_loop3A_470 = tpu.vector_load %arg8[%parallel_loop3A_467, %parallel_loop3A_468, %parallel_loop3A_469] {strides = array<i32>} : memref<3x128x128xf32, #tpu.memory_space<vmem>>, vector<1x1x16xf32>,
      %parallel_loop3A_471 = vector.shape_cast %parallel_loop3A_470 : vector<1x1x16xf32> to vector<16xf32>
      %parallel_loop3A_472 = arith.constant 1 : i32
      %parallel_loop3A_473 = arith.index_cast %parallel_loop3A_472 : i32 to index
      %parallel_loop3A_474 = arith.index_cast %parallel_loop3A_425 : i32 to index
      %parallel_loop3A_475 = arith.constant 32 : index
      %parallel_loop3A_476 = tpu.vector_load %arg7[%parallel_loop3A_473, %parallel_loop3A_474, %parallel_loop3A_475] {strides = array<i32>} : memref<3x128x128xf32, #tpu.memory_space<vmem>>, vector<1x1x16xf32>,
      %parallel_loop3A_477 = vector.shape_cast %parallel_loop3A_476 : vector<1x1x16xf32> to vector<16xf32>
      %parallel_loop3A_478 = arith.mulf %parallel_loop3A_471, %parallel_loop3A_477 : vector<16xf32>
      %parallel_loop3A_479 = arith.constant 1 : i32
      %parallel_loop3A_480 = arith.index_cast %parallel_loop3A_479 : i32 to index
      %parallel_loop3A_481 = arith.index_cast %parallel_loop3A_425 : i32 to index
      %parallel_loop3A_482 = arith.constant 32 : index
      %parallel_loop3A_483 = tpu.vector_load %arg8[%parallel_loop3A_480, %parallel_loop3A_481, %parallel_loop3A_482] {strides = array<i32>} : memref<3x128x128xf32, #tpu.memory_space<vmem>>, vector<1x1x16xf32>,
      %parallel_loop3A_484 = vector.shape_cast %parallel_loop3A_483 : vector<1x1x16xf32> to vector<16xf32>
      %parallel_loop3A_485 = vector.shape_cast %parallel_loop3A_478 : vector<16xf32> to vector<1x1x16xf32>
      tpu.vector_store %arg8[%parallel_loop3A_480, %parallel_loop3A_481, %parallel_loop3A_482], %parallel_loop3A_485 {strides = array<i32>} : memref<3x128x128xf32, #tpu.memory_space<vmem>>, vector<1x1x16xf32>,
      %parallel_loop3A_486 = arith.constant 1 : i32
      %parallel_loop3A_487 = arith.index_cast %parallel_loop3A_486 : i32 to index
      %parallel_loop3A_488 = arith.index_cast %parallel_loop3A_425 : i32 to index
      %parallel_loop3A_489 = arith.constant 48 : index
      %parallel_loop3A_490 = tpu.vector_load %arg8[%parallel_loop3A_487, %parallel_loop3A_488, %parallel_loop3A_489] {strides = array<i32>} : memref<3x128x128xf32, #tpu.memory_space<vmem>>, vector<1x1x16xf32>,
      %parallel_loop3A_491 = vector.shape_cast %parallel_loop3A_490 : vector<1x1x16xf32> to vector<16xf32>
      %parallel_loop3A_492 = arith.constant 1 : i32
      %parallel_loop3A_493 = arith.index_cast %parallel_loop3A_492 : i32 to index
      %parallel_loop3A_494 = arith.index_cast %parallel_loop3A_425 : i32 to index
      %parallel_loop3A_495 = arith.constant 48 : index
      %parallel_loop3A_496 = tpu.vector_load %arg7[%parallel_loop3A_493, %parallel_loop3A_494, %parallel_loop3A_495] {strides = array<i32>} : memref<3x128x128xf32, #tpu.memory_space<vmem>>, vector<1x1x16xf32>,
      %parallel_loop3A_497 = vector.shape_cast %parallel_loop3A_496 : vector<1x1x16xf32> to vector<16xf32>
      %parallel_loop3A_498 = arith.mulf %parallel_loop3A_491, %parallel_loop3A_497 : vector<16xf32>
      %parallel_loop3A_499 = arith.constant 1 : i32
      %parallel_loop3A_500 = arith.index_cast %parallel_loop3A_499 : i32 to index
      %parallel_loop3A_501 = arith.index_cast %parallel_loop3A_425 : i32 to index
      %parallel_loop3A_502 = arith.constant 48 : index
      %parallel_loop3A_503 = tpu.vector_load %arg8[%parallel_loop3A_500, %parallel_loop3A_501, %parallel_loop3A_502] {strides = array<i32>} : memref<3x128x128xf32, #tpu.memory_space<vmem>>, vector<1x1x16xf32>,
      %parallel_loop3A_504 = vector.shape_cast %parallel_loop3A_503 : vector<1x1x16xf32> to vector<16xf32>
      %parallel_loop3A_505 = vector.shape_cast %parallel_loop3A_498 : vector<16xf32> to vector<1x1x16xf32>
      tpu.vector_store %arg8[%parallel_loop3A_500, %parallel_loop3A_501, %parallel_loop3A_502], %parallel_loop3A_505 {strides = array<i32>} : memref<3x128x128xf32, #tpu.memory_space<vmem>>, vector<1x1x16xf32>,
      %parallel_loop3A_506 = arith.constant 1 : i32
      %parallel_loop3A_507 = arith.index_cast %parallel_loop3A_506 : i32 to index
      %parallel_loop3A_508 = arith.index_cast %parallel_loop3A_425 : i32 to index
      %parallel_loop3A_509 = arith.constant 64 : index
      %parallel_loop3A_510 = tpu.vector_load %arg8[%parallel_loop3A_507, %parallel_loop3A_508, %parallel_loop3A_509] {strides = array<i32>} : memref<3x128x128xf32, #tpu.memory_space<vmem>>, vector<1x1x16xf32>,
      %parallel_loop3A_511 = vector.shape_cast %parallel_loop3A_510 : vector<1x1x16xf32> to vector<16xf32>
      %parallel_loop3A_512 = arith.constant 1 : i32
      %parallel_loop3A_513 = arith.index_cast %parallel_loop3A_512 : i32 to index
      %parallel_loop3A_514 = arith.index_cast %parallel_loop3A_425 : i32 to index
      %parallel_loop3A_515 = arith.constant 64 : index
      %parallel_loop3A_516 = tpu.vector_load %arg7[%parallel_loop3A_513, %parallel_loop3A_514, %parallel_loop3A_515] {strides = array<i32>} : memref<3x128x128xf32, #tpu.memory_space<vmem>>, vector<1x1x16xf32>,
      %parallel_loop3A_517 = vector.shape_cast %parallel_loop3A_516 : vector<1x1x16xf32> to vector<16xf32>
      %parallel_loop3A_518 = arith.mulf %parallel_loop3A_511, %parallel_loop3A_517 : vector<16xf32>
      %parallel_loop3A_519 = arith.constant 1 : i32
      %parallel_loop3A_520 = arith.index_cast %parallel_loop3A_519 : i32 to index
      %parallel_loop3A_521 = arith.index_cast %parallel_loop3A_425 : i32 to index
      %parallel_loop3A_522 = arith.constant 64 : index
      %parallel_loop3A_523 = tpu.vector_load %arg8[%parallel_loop3A_520, %parallel_loop3A_521, %parallel_loop3A_522] {strides = array<i32>} : memref<3x128x128xf32, #tpu.memory_space<vmem>>, vector<1x1x16xf32>,
      %parallel_loop3A_524 = vector.shape_cast %parallel_loop3A_523 : vector<1x1x16xf32> to vector<16xf32>
      %parallel_loop3A_525 = vector.shape_cast %parallel_loop3A_518 : vector<16xf32> to vector<1x1x16xf32>
      tpu.vector_store %arg8[%parallel_loop3A_520, %parallel_loop3A_521, %parallel_loop3A_522], %parallel_loop3A_525 {strides = array<i32>} : memref<3x128x128xf32, #tpu.memory_space<vmem>>, vector<1x1x16xf32>,
      %parallel_loop3A_526 = arith.constant 1 : i32
      %parallel_loop3A_527 = arith.index_cast %parallel_loop3A_526 : i32 to index
      %parallel_loop3A_528 = arith.index_cast %parallel_loop3A_425 : i32 to index
      %parallel_loop3A_529 = arith.constant 80 : index
      %parallel_loop3A_530 = tpu.vector_load %arg8[%parallel_loop3A_527, %parallel_loop3A_528, %parallel_loop3A_529] {strides = array<i32>} : memref<3x128x128xf32, #tpu.memory_space<vmem>>, vector<1x1x16xf32>,
      %parallel_loop3A_531 = vector.shape_cast %parallel_loop3A_530 : vector<1x1x16xf32> to vector<16xf32>
      %parallel_loop3A_532 = arith.constant 1 : i32
      %parallel_loop3A_533 = arith.index_cast %parallel_loop3A_532 : i32 to index
      %parallel_loop3A_534 = arith.index_cast %parallel_loop3A_425 : i32 to index
      %parallel_loop3A_535 = arith.constant 80 : index
      %parallel_loop3A_536 = tpu.vector_load %arg7[%parallel_loop3A_533, %parallel_loop3A_534, %parallel_loop3A_535] {strides = array<i32>} : memref<3x128x128xf32, #tpu.memory_space<vmem>>, vector<1x1x16xf32>,
      %parallel_loop3A_537 = vector.shape_cast %parallel_loop3A_536 : vector<1x1x16xf32> to vector<16xf32>
      %parallel_loop3A_538 = arith.mulf %parallel_loop3A_531, %parallel_loop3A_537 : vector<16xf32>
      %parallel_loop3A_539 = arith.constant 1 : i32
      %parallel_loop3A_540 = arith.index_cast %parallel_loop3A_539 : i32 to index
      %parallel_loop3A_541 = arith.index_cast %parallel_loop3A_425 : i32 to index
      %parallel_loop3A_542 = arith.constant 80 : index
      %parallel_loop3A_543 = tpu.vector_load %arg8[%parallel_loop3A_540, %parallel_loop3A_541, %parallel_loop3A_542] {strides = array<i32>} : memref<3x128x128xf32, #tpu.memory_space<vmem>>, vector<1x1x16xf32>,
      %parallel_loop3A_544 = vector.shape_cast %parallel_loop3A_543 : vector<1x1x16xf32> to vector<16xf32>
      %parallel_loop3A_545 = vector.shape_cast %parallel_loop3A_538 : vector<16xf32> to vector<1x1x16xf32>
      tpu.vector_store %arg8[%parallel_loop3A_540, %parallel_loop3A_541, %parallel_loop3A_542], %parallel_loop3A_545 {strides = array<i32>} : memref<3x128x128xf32, #tpu.memory_space<vmem>>, vector<1x1x16xf32>,
      %parallel_loop3A_546 = arith.constant 1 : i32
      %parallel_loop3A_547 = arith.index_cast %parallel_loop3A_546 : i32 to index
      %parallel_loop3A_548 = arith.index_cast %parallel_loop3A_425 : i32 to index
      %parallel_loop3A_549 = arith.constant 96 : index
      %parallel_loop3A_550 = tpu.vector_load %arg8[%parallel_loop3A_547, %parallel_loop3A_548, %parallel_loop3A_549] {strides = array<i32>} : memref<3x128x128xf32, #tpu.memory_space<vmem>>, vector<1x1x16xf32>,
      %parallel_loop3A_551 = vector.shape_cast %parallel_loop3A_550 : vector<1x1x16xf32> to vector<16xf32>
      %parallel_loop3A_552 = arith.constant 1 : i32
      %parallel_loop3A_553 = arith.index_cast %parallel_loop3A_552 : i32 to index
      %parallel_loop3A_554 = arith.index_cast %parallel_loop3A_425 : i32 to index
      %parallel_loop3A_555 = arith.constant 96 : index
      %parallel_loop3A_556 = tpu.vector_load %arg7[%parallel_loop3A_553, %parallel_loop3A_554, %parallel_loop3A_555] {strides = array<i32>} : memref<3x128x128xf32, #tpu.memory_space<vmem>>, vector<1x1x16xf32>,
      %parallel_loop3A_557 = vector.shape_cast %parallel_loop3A_556 : vector<1x1x16xf32> to vector<16xf32>
      %parallel_loop3A_558 = arith.mulf %parallel_loop3A_551, %parallel_loop3A_557 : vector<16xf32>
      %parallel_loop3A_559 = arith.constant 1 : i32
      %parallel_loop3A_560 = arith.index_cast %parallel_loop3A_559 : i32 to index
      %parallel_loop3A_561 = arith.index_cast %parallel_loop3A_425 : i32 to index
      %parallel_loop3A_562 = arith.constant 96 : index
      %parallel_loop3A_563 = tpu.vector_load %arg8[%parallel_loop3A_560, %parallel_loop3A_561, %parallel_loop3A_562] {strides = array<i32>} : memref<3x128x128xf32, #tpu.memory_space<vmem>>, vector<1x1x16xf32>,
      %parallel_loop3A_564 = vector.shape_cast %parallel_loop3A_563 : vector<1x1x16xf32> to vector<16xf32>
      %parallel_loop3A_565 = vector.shape_cast %parallel_loop3A_558 : vector<16xf32> to vector<1x1x16xf32>
      tpu.vector_store %arg8[%parallel_loop3A_560, %parallel_loop3A_561, %parallel_loop3A_562], %parallel_loop3A_565 {strides = array<i32>} : memref<3x128x128xf32, #tpu.memory_space<vmem>>, vector<1x1x16xf32>,
      %parallel_loop3A_566 = arith.constant 1 : i32
      %parallel_loop3A_567 = arith.index_cast %parallel_loop3A_566 : i32 to index
      %parallel_loop3A_568 = arith.index_cast %parallel_loop3A_425 : i32 to index
      %parallel_loop3A_569 = arith.constant 112 : index
      %parallel_loop3A_570 = tpu.vector_load %arg8[%parallel_loop3A_567, %parallel_loop3A_568, %parallel_loop3A_569] {strides = array<i32>} : memref<3x128x128xf32, #tpu.memory_space<vmem>>, vector<1x1x16xf32>,
      %parallel_loop3A_571 = vector.shape_cast %parallel_loop3A_570 : vector<1x1x16xf32> to vector<16xf32>
      %parallel_loop3A_572 = arith.constant 1 : i32
      %parallel_loop3A_573 = arith.index_cast %parallel_loop3A_572 : i32 to index
      %parallel_loop3A_574 = arith.index_cast %parallel_loop3A_425 : i32 to index
      %parallel_loop3A_575 = arith.constant 112 : index
      %parallel_loop3A_576 = tpu.vector_load %arg7[%parallel_loop3A_573, %parallel_loop3A_574, %parallel_loop3A_575] {strides = array<i32>} : memref<3x128x128xf32, #tpu.memory_space<vmem>>, vector<1x1x16xf32>,
      %parallel_loop3A_577 = vector.shape_cast %parallel_loop3A_576 : vector<1x1x16xf32> to vector<16xf32>
      %parallel_loop3A_578 = arith.mulf %parallel_loop3A_571, %parallel_loop3A_577 : vector<16xf32>
      %parallel_loop3A_579 = arith.constant 1 : i32
      %parallel_loop3A_580 = arith.index_cast %parallel_loop3A_579 : i32 to index
      %parallel_loop3A_581 = arith.index_cast %parallel_loop3A_425 : i32 to index
      %parallel_loop3A_582 = arith.constant 112 : index
      %parallel_loop3A_583 = tpu.vector_load %arg8[%parallel_loop3A_580, %parallel_loop3A_581, %parallel_loop3A_582] {strides = array<i32>} : memref<3x128x128xf32, #tpu.memory_space<vmem>>, vector<1x1x16xf32>,
      %parallel_loop3A_584 = vector.shape_cast %parallel_loop3A_583 : vector<1x1x16xf32> to vector<16xf32>
      %parallel_loop3A_585 = vector.shape_cast %parallel_loop3A_578 : vector<16xf32> to vector<1x1x16xf32>
      tpu.vector_store %arg8[%parallel_loop3A_580, %parallel_loop3A_581, %parallel_loop3A_582], %parallel_loop3A_585 {strides = array<i32>} : memref<3x128x128xf32, #tpu.memory_space<vmem>>, vector<1x1x16xf32>,
    } {sc.loop_unroll_factor = 4 : i64, sc.parallel_access}
    %add3A_194 = arith.constant 128 : i32
    %add3A_195 = arith.addi %mul3A_2, %add3A_194 : i32
    %dma_start3A_196 = arith.constant 1 : i32
    %dma_start3A_197 = arith.constant 1 : i32
    %dma_start3A_198 = arith.constant 0 : i32
    %dma_start3A_199 = arith.constant 0 : i32
    %dma_start3A_200 = tpu.memref_slice %arg8[%dma_start3A_196, %dma_start3A_198, %dma_start3A_199] : memref<3x128x128xf32, #tpu.memory_space<vmem>> -> memref<1x128x128xf32, #tpu.memory_space<vmem>>
    %dma_start3A_201 = tpu.memref_squeeze %dma_start3A_200 : memref<1x128x128xf32, #tpu.memory_space<vmem>> -> memref<128x128xf32, #tpu.memory_space<vmem>>
    %dma_start3A_202 = arith.constant 0 : i32
    %dma_start3A_203 = tpu.memref_slice %arg5[%add3A_195, %dma_start3A_202] : memref<16384x128xf32, #tpu.memory_space<hbm>> -> memref<128x128xf32, #tpu.memory_space<hbm>>
    %dma_start3A_204 = tpu.memref_slice %arg12[%dma_start3A_197] : memref<3x!tpu.dma_semaphore, #tpu.memory_space<semaphore_mem>> -> memref<1x!tpu.dma_semaphore, #tpu.memory_space<semaphore_mem>>
    %dma_start3A_205 = tpu.memref_squeeze %dma_start3A_204 : memref<1x!tpu.dma_semaphore, #tpu.memory_space<semaphore_mem>> -> memref<!tpu.dma_semaphore, #tpu.memory_space<semaphore_mem>>
    %dma_start3A_206 = arith.constant 0 : i32
    %dma_start3A_207 = tpu.memref_slice %arg5[%add3A_195, %dma_start3A_206] : memref<16384x128xf32, #tpu.memory_space<hbm>> -> memref<128x128xf32, #tpu.memory_space<hbm>>
    %dma_start3A_208 = arith.constant 0 : i32
    %dma_start3A_209 = arith.constant 0 : i32
    %dma_start3A_210 = tpu.memref_slice %arg8[%dma_start3A_196, %dma_start3A_208, %dma_start3A_209] : memref<3x128x128xf32, #tpu.memory_space<vmem>> -> memref<1x128x128xf32, #tpu.memory_space<vmem>>
    %dma_start3A_211 = tpu.memref_squeeze %dma_start3A_210 : memref<1x128x128xf32, #tpu.memory_space<vmem>> -> memref<128x128xf32, #tpu.memory_space<vmem>>
    tpu.enqueue_dma source(%dma_start3A_211 : memref<128x128xf32, #tpu.memory_space<vmem>>) target(%dma_start3A_207 : memref<128x128xf32, #tpu.memory_space<hbm>>) target_semaphore(%dma_start3A_205 : memref<!tpu.dma_semaphore, #tpu.memory_space<semaphore_mem>>)
    %add3A_212 = arith.constant 0 : i32
    %add3A_213 = arith.addi %mul3A_2, %add3A_212 : i32
    %dma_wait3A_214 = arith.constant 0 : i32
    %dma_wait3A_215 = arith.constant 0 : i32
    %dma_wait3A_216 = arith.constant 0 : i32
    %dma_wait3A_217 = arith.constant 0 : i32
    %dma_wait3A_218 = tpu.memref_slice %arg8[%dma_wait3A_214, %dma_wait3A_216, %dma_wait3A_217] : memref<3x128x128xf32, #tpu.memory_space<vmem>> -> memref<1x128x128xf32, #tpu.memory_space<vmem>>
    %dma_wait3A_219 = tpu.memref_squeeze %dma_wait3A_218 : memref<1x128x128xf32, #tpu.memory_space<vmem>> -> memref<128x128xf32, #tpu.memory_space<vmem>>
    %dma_wait3A_220 = arith.constant 0 : i32
    %dma_wait3A_221 = tpu.memref_slice %arg5[%add3A_213, %dma_wait3A_220] : memref<16384x128xf32, #tpu.memory_space<hbm>> -> memref<128x128xf32, #tpu.memory_space<hbm>>
    %dma_wait3A_222 = tpu.memref_slice %arg12[%dma_wait3A_215] : memref<3x!tpu.dma_semaphore, #tpu.memory_space<semaphore_mem>> -> memref<1x!tpu.dma_semaphore, #tpu.memory_space<semaphore_mem>>
    %dma_wait3A_223 = tpu.memref_squeeze %dma_wait3A_222 : memref<1x!tpu.dma_semaphore, #tpu.memory_space<semaphore_mem>> -> memref<!tpu.dma_semaphore, #tpu.memory_space<semaphore_mem>>
    %dma_wait3A_224 = arith.constant 0 : i32
    %dma_wait3A_225 = tpu.memref_slice %arg5[%add3A_213, %dma_wait3A_224] : memref<16384x128xf32, #tpu.memory_space<hbm>> -> memref<128x128xf32, #tpu.memory_space<hbm>>
    %dma_wait3A_226 = arith.constant 0 : i32
    %dma_wait3A_227 = arith.constant 0 : i32
    %dma_wait3A_228 = tpu.memref_slice %arg8[%dma_wait3A_214, %dma_wait3A_226, %dma_wait3A_227] : memref<3x128x128xf32, #tpu.memory_space<vmem>> -> memref<1x128x128xf32, #tpu.memory_space<vmem>>
    %dma_wait3A_229 = tpu.memref_squeeze %dma_wait3A_228 : memref<1x128x128xf32, #tpu.memory_space<vmem>> -> memref<128x128xf32, #tpu.memory_space<vmem>>
    tpu.wait_dma2 semaphore(%dma_wait3A_223 : memref<!tpu.dma_semaphore, #tpu.memory_space<semaphore_mem>>) src(%dma_wait3A_229 : memref<128x128xf32, #tpu.memory_space<vmem>>) dst(%dma_wait3A_225 : memref<128x128xf32, #tpu.memory_space<hbm>>)
    %dma_start3A_230 = arith.constant 3 : i32
    %dma_start3A_231 = arith.constant 0 : i32
    %dma_start3A_232 = arith.constant 0 : i32
    %dma_start3A_233 = arith.constant 0 : i32
    %dma_start3A_234 = arith.constant 0 : i32
    %dma_start3A_235 = tpu.memref_slice %arg7[%dma_start3A_231, %dma_start3A_233, %dma_start3A_234] : memref<3x128x128xf32, #tpu.memory_space<vmem>> -> memref<1x128x128xf32, #tpu.memory_space<vmem>>
    %dma_start3A_236 = tpu.memref_squeeze %dma_start3A_235 : memref<1x128x128xf32, #tpu.memory_space<vmem>> -> memref<128x128xf32, #tpu.memory_space<vmem>>
    %dma_start3A_237 = arith.constant 0 : i32
    %dma_start3A_238 = tpu.memref_slice %arg6[%dma_start3A_230, %dma_start3A_237] : memref<4x128xi32, #tpu.memory_space<vmem>> -> memref<1x128xi32, #tpu.memory_space<vmem>>
    %dma_start3A_239 = tpu.memref_squeeze %dma_start3A_238 : memref<1x128xi32, #tpu.memory_space<vmem>> -> memref<128xi32, #tpu.memory_space<vmem>>
    %dma_start3A_240 = arith.constant 0 : i32
    %dma_start3A_241 = arith.constant 0 : i32
    %dma_start3A_242 = tpu.memref_slice %arg9[%dma_start3A_240, %dma_start3A_241] : memref<1000x128xf32, #tpu.memory_space<vmem_shared>> -> memref<1000x128xf32, #tpu.memory_space<vmem_shared>>
    %dma_start3A_243 = tpu.memref_slice %arg10[%dma_start3A_232] : memref<3x!tpu.dma_semaphore, #tpu.memory_space<semaphore_mem>> -> memref<1x!tpu.dma_semaphore, #tpu.memory_space<semaphore_mem>>
    %dma_start3A_244 = tpu.memref_squeeze %dma_start3A_243 : memref<1x!tpu.dma_semaphore, #tpu.memory_space<semaphore_mem>> -> memref<!tpu.dma_semaphore, #tpu.memory_space<semaphore_mem>>
    tpu.enqueue_indirect_dma source(%dma_start3A_242 : memref<1000x128xf32, #tpu.memory_space<vmem_shared>>) target(%dma_start3A_236 : memref<128x128xf32, #tpu.memory_space<vmem>>) offsets(%dma_start3A_239 : memref<128xi32, #tpu.memory_space<vmem>>) semaphore(%dma_start3A_244 : memref<!tpu.dma_semaphore, #tpu.memory_space<semaphore_mem>>)
    %add3A_245 = arith.constant 384 : i32
    %add3A_246 = arith.addi %mul3A_2, %add3A_245 : i32
    %dma_start3A_247 = arith.constant 0 : i32
    %dma_start3A_248 = arith.constant 0 : i32
    %dma_start3A_249 = arith.constant 0 : i32
    %dma_start3A_250 = arith.constant 0 : i32
    %dma_start3A_251 = tpu.memref_slice %arg8[%dma_start3A_247, %dma_start3A_249, %dma_start3A_250] : memref<3x128x128xf32, #tpu.memory_space<vmem>> -> memref<1x128x128xf32, #tpu.memory_space<vmem>>
    %dma_start3A_252 = tpu.memref_squeeze %dma_start3A_251 : memref<1x128x128xf32, #tpu.memory_space<vmem>> -> memref<128x128xf32, #tpu.memory_space<vmem>>
    %dma_start3A_253 = arith.constant 0 : i32
    %dma_start3A_254 = tpu.memref_slice %arg2[%add3A_246, %dma_start3A_253] : memref<16384x128xf32, #tpu.memory_space<hbm>> -> memref<128x128xf32, #tpu.memory_space<hbm>>
    %dma_start3A_255 = tpu.memref_slice %arg11[%dma_start3A_248] : memref<3x!tpu.dma_semaphore, #tpu.memory_space<semaphore_mem>> -> memref<1x!tpu.dma_semaphore, #tpu.memory_space<semaphore_mem>>
    %dma_start3A_256 = tpu.memref_squeeze %dma_start3A_255 : memref<1x!tpu.dma_semaphore, #tpu.memory_space<semaphore_mem>> -> memref<!tpu.dma_semaphore, #tpu.memory_space<semaphore_mem>>
    %dma_start3A_257 = arith.constant 0 : i32
    %dma_start3A_258 = arith.constant 0 : i32
    %dma_start3A_259 = tpu.memref_slice %arg8[%dma_start3A_247, %dma_start3A_257, %dma_start3A_258] : memref<3x128x128xf32, #tpu.memory_space<vmem>> -> memref<1x128x128xf32, #tpu.memory_space<vmem>>
    %dma_start3A_260 = tpu.memref_squeeze %dma_start3A_259 : memref<1x128x128xf32, #tpu.memory_space<vmem>> -> memref<128x128xf32, #tpu.memory_space<vmem>>
    %dma_start3A_261 = arith.constant 0 : i32
    %dma_start3A_262 = tpu.memref_slice %arg2[%add3A_246, %dma_start3A_261] : memref<16384x128xf32, #tpu.memory_space<hbm>> -> memref<128x128xf32, #tpu.memory_space<hbm>>
    tpu.enqueue_dma source(%dma_start3A_262 : memref<128x128xf32, #tpu.memory_space<hbm>>) target(%dma_start3A_260 : memref<128x128xf32, #tpu.memory_space<vmem>>) target_semaphore(%dma_start3A_256 : memref<!tpu.dma_semaphore, #tpu.memory_space<semaphore_mem>>)
    %dma_wait3A_263 = arith.constant 2 : i32
    %dma_wait3A_264 = arith.constant 2 : i32
    %dma_wait3A_265 = arith.constant 2 : i32
    %dma_wait3A_266 = arith.constant 0 : i32
    %dma_wait3A_267 = arith.constant 0 : i32
    %dma_wait3A_268 = tpu.memref_slice %arg7[%dma_wait3A_264, %dma_wait3A_266, %dma_wait3A_267] : memref<3x128x128xf32, #tpu.memory_space<vmem>> -> memref<1x128x128xf32, #tpu.memory_space<vmem>>
    %dma_wait3A_269 = tpu.memref_squeeze %dma_wait3A_268 : memref<1x128x128xf32, #tpu.memory_space<vmem>> -> memref<128x128xf32, #tpu.memory_space<vmem>>
    %dma_wait3A_270 = arith.constant 0 : i32
    %dma_wait3A_271 = tpu.memref_slice %arg6[%dma_wait3A_263, %dma_wait3A_270] : memref<4x128xi32, #tpu.memory_space<vmem>> -> memref<1x128xi32, #tpu.memory_space<vmem>>
    %dma_wait3A_272 = tpu.memref_squeeze %dma_wait3A_271 : memref<1x128xi32, #tpu.memory_space<vmem>> -> memref<128xi32, #tpu.memory_space<vmem>>
    %dma_wait3A_273 = arith.constant 0 : i32
    %dma_wait3A_274 = arith.constant 0 : i32
    %dma_wait3A_275 = tpu.memref_slice %arg9[%dma_wait3A_273, %dma_wait3A_274] : memref<1000x128xf32, #tpu.memory_space<vmem_shared>> -> memref<1000x128xf32, #tpu.memory_space<vmem_shared>>
    %dma_wait3A_276 = tpu.memref_slice %arg10[%dma_wait3A_265] : memref<3x!tpu.dma_semaphore, #tpu.memory_space<semaphore_mem>> -> memref<1x!tpu.dma_semaphore, #tpu.memory_space<semaphore_mem>>
    %dma_wait3A_277 = tpu.memref_squeeze %dma_wait3A_276 : memref<1x!tpu.dma_semaphore, #tpu.memory_space<semaphore_mem>> -> memref<!tpu.dma_semaphore, #tpu.memory_space<semaphore_mem>>
    tpu.wait_indirect_dma semaphore(%dma_wait3A_277 : memref<!tpu.dma_semaphore, #tpu.memory_space<semaphore_mem>>) src(%dma_wait3A_275 : memref<1000x128xf32, #tpu.memory_space<vmem_shared>>) dst(%dma_wait3A_269 : memref<128x128xf32, #tpu.memory_space<vmem>>)
    %add3A_278 = arith.constant 256 : i32
    %add3A_279 = arith.addi %mul3A_2, %add3A_278 : i32
    %dma_wait3A_280 = arith.constant 2 : i32
    %dma_wait3A_281 = arith.constant 2 : i32
    %dma_wait3A_282 = arith.constant 0 : i32
    %dma_wait3A_283 = arith.constant 0 : i32
    %dma_wait3A_284 = tpu.memref_slice %arg8[%dma_wait3A_280, %dma_wait3A_282, %dma_wait3A_283] : memref<3x128x128xf32, #tpu.memory_space<vmem>> -> memref<1x128x128xf32, #tpu.memory_space<vmem>>
    %dma_wait3A_285 = tpu.memref_squeeze %dma_wait3A_284 : memref<1x128x128xf32, #tpu.memory_space<vmem>> -> memref<128x128xf32, #tpu.memory_space<vmem>>
    %dma_wait3A_286 = arith.constant 0 : i32
    %dma_wait3A_287 = tpu.memref_slice %arg2[%add3A_279, %dma_wait3A_286] : memref<16384x128xf32, #tpu.memory_space<hbm>> -> memref<128x128xf32, #tpu.memory_space<hbm>>
    %dma_wait3A_288 = tpu.memref_slice %arg11[%dma_wait3A_281] : memref<3x!tpu.dma_semaphore, #tpu.memory_space<semaphore_mem>> -> memref<1x!tpu.dma_semaphore, #tpu.memory_space<semaphore_mem>>
    %dma_wait3A_289 = tpu.memref_squeeze %dma_wait3A_288 : memref<1x!tpu.dma_semaphore, #tpu.memory_space<semaphore_mem>> -> memref<!tpu.dma_semaphore, #tpu.memory_space<semaphore_mem>>
    %dma_wait3A_290 = arith.constant 0 : i32
    %dma_wait3A_291 = arith.constant 0 : i32
    %dma_wait3A_292 = tpu.memref_slice %arg8[%dma_wait3A_280, %dma_wait3A_290, %dma_wait3A_291] : memref<3x128x128xf32, #tpu.memory_space<vmem>> -> memref<1x128x128xf32, #tpu.memory_space<vmem>>
    %dma_wait3A_293 = tpu.memref_squeeze %dma_wait3A_292 : memref<1x128x128xf32, #tpu.memory_space<vmem>> -> memref<128x128xf32, #tpu.memory_space<vmem>>
    %dma_wait3A_294 = arith.constant 0 : i32
    %dma_wait3A_295 = tpu.memref_slice %arg2[%add3A_279, %dma_wait3A_294] : memref<16384x128xf32, #tpu.memory_space<hbm>> -> memref<128x128xf32, #tpu.memory_space<hbm>>
    tpu.wait_dma2 semaphore(%dma_wait3A_289 : memref<!tpu.dma_semaphore, #tpu.memory_space<semaphore_mem>>) src(%dma_wait3A_295 : memref<128x128xf32, #tpu.memory_space<hbm>>) dst(%dma_wait3A_293 : memref<128x128xf32, #tpu.memory_space<vmem>>)
    %parallel_loop3A_296 = arith.constant 0 : i32
    %parallel_loop3A_297 = arith.constant 128 : i32
    %parallel_loop3A_298 = arith.constant 1 : i32
    scf.for %parallel_loop3A_425 = %parallel_loop3A_296 to %parallel_loop3A_297 step %parallel_loop3A_298  : i32 {
      %parallel_loop3A_426 = arith.constant 2 : i32
      %parallel_loop3A_427 = arith.index_cast %parallel_loop3A_426 : i32 to index
      %parallel_loop3A_428 = arith.index_cast %parallel_loop3A_425 : i32 to index
      %parallel_loop3A_429 = arith.constant 0 : index
      %parallel_loop3A_430 = tpu.vector_load %arg8[%parallel_loop3A_427, %parallel_loop3A_428, %parallel_loop3A_429] {strides = array<i32>} : memref<3x128x128xf32, #tpu.memory_space<vmem>>, vector<1x1x16xf32>,
      %parallel_loop3A_431 = vector.shape_cast %parallel_loop3A_430 : vector<1x1x16xf32> to vector<16xf32>
      %parallel_loop3A_432 = arith.constant 2 : i32
      %parallel_loop3A_433 = arith.index_cast %parallel_loop3A_432 : i32 to index
      %parallel_loop3A_434 = arith.index_cast %parallel_loop3A_425 : i32 to index
      %parallel_loop3A_435 = arith.constant 0 : index
      %parallel_loop3A_436 = tpu.vector_load %arg7[%parallel_loop3A_433, %parallel_loop3A_434, %parallel_loop3A_435] {strides = array<i32>} : memref<3x128x128xf32, #tpu.memory_space<vmem>>, vector<1x1x16xf32>,
      %parallel_loop3A_437 = vector.shape_cast %parallel_loop3A_436 : vector<1x1x16xf32> to vector<16xf32>
      %parallel_loop3A_438 = arith.mulf %parallel_loop3A_431, %parallel_loop3A_437 : vector<16xf32>
      %parallel_loop3A_439 = arith.constant 2 : i32
      %parallel_loop3A_440 = arith.index_cast %parallel_loop3A_439 : i32 to index
      %parallel_loop3A_441 = arith.index_cast %parallel_loop3A_425 : i32 to index
      %parallel_loop3A_442 = arith.constant 0 : index
      %parallel_loop3A_443 = tpu.vector_load %arg8[%parallel_loop3A_440, %parallel_loop3A_441, %parallel_loop3A_442] {strides = array<i32>} : memref<3x128x128xf32, #tpu.memory_space<vmem>>, vector<1x1x16xf32>,
      %parallel_loop3A_444 = vector.shape_cast %parallel_loop3A_443 : vector<1x1x16xf32> to vector<16xf32>
      %parallel_loop3A_445 = vector.shape_cast %parallel_loop3A_438 : vector<16xf32> to vector<1x1x16xf32>
      tpu.vector_store %arg8[%parallel_loop3A_440, %parallel_loop3A_441, %parallel_loop3A_442], %parallel_loop3A_445 {strides = array<i32>} : memref<3x128x128xf32, #tpu.memory_space<vmem>>, vector<1x1x16xf32>,
      %parallel_loop3A_446 = arith.constant 2 : i32
      %parallel_loop3A_447 = arith.index_cast %parallel_loop3A_446 : i32 to index
      %parallel_loop3A_448 = arith.index_cast %parallel_loop3A_425 : i32 to index
      %parallel_loop3A_449 = arith.constant 16 : index
      %parallel_loop3A_450 = tpu.vector_load %arg8[%parallel_loop3A_447, %parallel_loop3A_448, %parallel_loop3A_449] {strides = array<i32>} : memref<3x128x128xf32, #tpu.memory_space<vmem>>, vector<1x1x16xf32>,
      %parallel_loop3A_451 = vector.shape_cast %parallel_loop3A_450 : vector<1x1x16xf32> to vector<16xf32>
      %parallel_loop3A_452 = arith.constant 2 : i32
      %parallel_loop3A_453 = arith.index_cast %parallel_loop3A_452 : i32 to index
      %parallel_loop3A_454 = arith.index_cast %parallel_loop3A_425 : i32 to index
      %parallel_loop3A_455 = arith.constant 16 : index
      %parallel_loop3A_456 = tpu.vector_load %arg7[%parallel_loop3A_453, %parallel_loop3A_454, %parallel_loop3A_455] {strides = array<i32>} : memref<3x128x128xf32, #tpu.memory_space<vmem>>, vector<1x1x16xf32>,
      %parallel_loop3A_457 = vector.shape_cast %parallel_loop3A_456 : vector<1x1x16xf32> to vector<16xf32>
      %parallel_loop3A_458 = arith.mulf %parallel_loop3A_451, %parallel_loop3A_457 : vector<16xf32>
      %parallel_loop3A_459 = arith.constant 2 : i32
      %parallel_loop3A_460 = arith.index_cast %parallel_loop3A_459 : i32 to index
      %parallel_loop3A_461 = arith.index_cast %parallel_loop3A_425 : i32 to index
      %parallel_loop3A_462 = arith.constant 16 : index
      %parallel_loop3A_463 = tpu.vector_load %arg8[%parallel_loop3A_460, %parallel_loop3A_461, %parallel_loop3A_462] {strides = array<i32>} : memref<3x128x128xf32, #tpu.memory_space<vmem>>, vector<1x1x16xf32>,
      %parallel_loop3A_464 = vector.shape_cast %parallel_loop3A_463 : vector<1x1x16xf32> to vector<16xf32>
      %parallel_loop3A_465 = vector.shape_cast %parallel_loop3A_458 : vector<16xf32> to vector<1x1x16xf32>
      tpu.vector_store %arg8[%parallel_loop3A_460, %parallel_loop3A_461, %parallel_loop3A_462], %parallel_loop3A_465 {strides = array<i32>} : memref<3x128x128xf32, #tpu.memory_space<vmem>>, vector<1x1x16xf32>,
      %parallel_loop3A_466 = arith.constant 2 : i32
      %parallel_loop3A_467 = arith.index_cast %parallel_loop3A_466 : i32 to index
      %parallel_loop3A_468 = arith.index_cast %parallel_loop3A_425 : i32 to index
      %parallel_loop3A_469 = arith.constant 32 : index
      %parallel_loop3A_470 = tpu.vector_load %arg8[%parallel_loop3A_467, %parallel_loop3A_468, %parallel_loop3A_469] {strides = array<i32>} : memref<3x128x128xf32, #tpu.memory_space<vmem>>, vector<1x1x16xf32>,
      %parallel_loop3A_471 = vector.shape_cast %parallel_loop3A_470 : vector<1x1x16xf32> to vector<16xf32>
      %parallel_loop3A_472 = arith.constant 2 : i32
      %parallel_loop3A_473 = arith.index_cast %parallel_loop3A_472 : i32 to index
      %parallel_loop3A_474 = arith.index_cast %parallel_loop3A_425 : i32 to index
      %parallel_loop3A_475 = arith.constant 32 : index
      %parallel_loop3A_476 = tpu.vector_load %arg7[%parallel_loop3A_473, %parallel_loop3A_474, %parallel_loop3A_475] {strides = array<i32>} : memref<3x128x128xf32, #tpu.memory_space<vmem>>, vector<1x1x16xf32>,
      %parallel_loop3A_477 = vector.shape_cast %parallel_loop3A_476 : vector<1x1x16xf32> to vector<16xf32>
      %parallel_loop3A_478 = arith.mulf %parallel_loop3A_471, %parallel_loop3A_477 : vector<16xf32>
      %parallel_loop3A_479 = arith.constant 2 : i32
      %parallel_loop3A_480 = arith.index_cast %parallel_loop3A_479 : i32 to index
      %parallel_loop3A_481 = arith.index_cast %parallel_loop3A_425 : i32 to index
      %parallel_loop3A_482 = arith.constant 32 : index
      %parallel_loop3A_483 = tpu.vector_load %arg8[%parallel_loop3A_480, %parallel_loop3A_481, %parallel_loop3A_482] {strides = array<i32>} : memref<3x128x128xf32, #tpu.memory_space<vmem>>, vector<1x1x16xf32>,
      %parallel_loop3A_484 = vector.shape_cast %parallel_loop3A_483 : vector<1x1x16xf32> to vector<16xf32>
      %parallel_loop3A_485 = vector.shape_cast %parallel_loop3A_478 : vector<16xf32> to vector<1x1x16xf32>
      tpu.vector_store %arg8[%parallel_loop3A_480, %parallel_loop3A_481, %parallel_loop3A_482], %parallel_loop3A_485 {strides = array<i32>} : memref<3x128x128xf32, #tpu.memory_space<vmem>>, vector<1x1x16xf32>,
      %parallel_loop3A_486 = arith.constant 2 : i32
      %parallel_loop3A_487 = arith.index_cast %parallel_loop3A_486 : i32 to index
      %parallel_loop3A_488 = arith.index_cast %parallel_loop3A_425 : i32 to index
      %parallel_loop3A_489 = arith.constant 48 : index
      %parallel_loop3A_490 = tpu.vector_load %arg8[%parallel_loop3A_487, %parallel_loop3A_488, %parallel_loop3A_489] {strides = array<i32>} : memref<3x128x128xf32, #tpu.memory_space<vmem>>, vector<1x1x16xf32>,
      %parallel_loop3A_491 = vector.shape_cast %parallel_loop3A_490 : vector<1x1x16xf32> to vector<16xf32>
      %parallel_loop3A_492 = arith.constant 2 : i32
      %parallel_loop3A_493 = arith.index_cast %parallel_loop3A_492 : i32 to index
      %parallel_loop3A_494 = arith.index_cast %parallel_loop3A_425 : i32 to index
      %parallel_loop3A_495 = arith.constant 48 : index
      %parallel_loop3A_496 = tpu.vector_load %arg7[%parallel_loop3A_493, %parallel_loop3A_494, %parallel_loop3A_495] {strides = array<i32>} : memref<3x128x128xf32, #tpu.memory_space<vmem>>, vector<1x1x16xf32>,
      %parallel_loop3A_497 = vector.shape_cast %parallel_loop3A_496 : vector<1x1x16xf32> to vector<16xf32>
      %parallel_loop3A_498 = arith.mulf %parallel_loop3A_491, %parallel_loop3A_497 : vector<16xf32>
      %parallel_loop3A_499 = arith.constant 2 : i32
      %parallel_loop3A_500 = arith.index_cast %parallel_loop3A_499 : i32 to index
      %parallel_loop3A_501 = arith.index_cast %parallel_loop3A_425 : i32 to index
      %parallel_loop3A_502 = arith.constant 48 : index
      %parallel_loop3A_503 = tpu.vector_load %arg8[%parallel_loop3A_500, %parallel_loop3A_501, %parallel_loop3A_502] {strides = array<i32>} : memref<3x128x128xf32, #tpu.memory_space<vmem>>, vector<1x1x16xf32>,
      %parallel_loop3A_504 = vector.shape_cast %parallel_loop3A_503 : vector<1x1x16xf32> to vector<16xf32>
      %parallel_loop3A_505 = vector.shape_cast %parallel_loop3A_498 : vector<16xf32> to vector<1x1x16xf32>
      tpu.vector_store %arg8[%parallel_loop3A_500, %parallel_loop3A_501, %parallel_loop3A_502], %parallel_loop3A_505 {strides = array<i32>} : memref<3x128x128xf32, #tpu.memory_space<vmem>>, vector<1x1x16xf32>,
      %parallel_loop3A_506 = arith.constant 2 : i32
      %parallel_loop3A_507 = arith.index_cast %parallel_loop3A_506 : i32 to index
      %parallel_loop3A_508 = arith.index_cast %parallel_loop3A_425 : i32 to index
      %parallel_loop3A_509 = arith.constant 64 : index
      %parallel_loop3A_510 = tpu.vector_load %arg8[%parallel_loop3A_507, %parallel_loop3A_508, %parallel_loop3A_509] {strides = array<i32>} : memref<3x128x128xf32, #tpu.memory_space<vmem>>, vector<1x1x16xf32>,
      %parallel_loop3A_511 = vector.shape_cast %parallel_loop3A_510 : vector<1x1x16xf32> to vector<16xf32>
      %parallel_loop3A_512 = arith.constant 2 : i32
      %parallel_loop3A_513 = arith.index_cast %parallel_loop3A_512 : i32 to index
      %parallel_loop3A_514 = arith.index_cast %parallel_loop3A_425 : i32 to index
      %parallel_loop3A_515 = arith.constant 64 : index
      %parallel_loop3A_516 = tpu.vector_load %arg7[%parallel_loop3A_513, %parallel_loop3A_514, %parallel_loop3A_515] {strides = array<i32>} : memref<3x128x128xf32, #tpu.memory_space<vmem>>, vector<1x1x16xf32>,
      %parallel_loop3A_517 = vector.shape_cast %parallel_loop3A_516 : vector<1x1x16xf32> to vector<16xf32>
      %parallel_loop3A_518 = arith.mulf %parallel_loop3A_511, %parallel_loop3A_517 : vector<16xf32>
      %parallel_loop3A_519 = arith.constant 2 : i32
      %parallel_loop3A_520 = arith.index_cast %parallel_loop3A_519 : i32 to index
      %parallel_loop3A_521 = arith.index_cast %parallel_loop3A_425 : i32 to index
      %parallel_loop3A_522 = arith.constant 64 : index
      %parallel_loop3A_523 = tpu.vector_load %arg8[%parallel_loop3A_520, %parallel_loop3A_521, %parallel_loop3A_522] {strides = array<i32>} : memref<3x128x128xf32, #tpu.memory_space<vmem>>, vector<1x1x16xf32>,
      %parallel_loop3A_524 = vector.shape_cast %parallel_loop3A_523 : vector<1x1x16xf32> to vector<16xf32>
      %parallel_loop3A_525 = vector.shape_cast %parallel_loop3A_518 : vector<16xf32> to vector<1x1x16xf32>
      tpu.vector_store %arg8[%parallel_loop3A_520, %parallel_loop3A_521, %parallel_loop3A_522], %parallel_loop3A_525 {strides = array<i32>} : memref<3x128x128xf32, #tpu.memory_space<vmem>>, vector<1x1x16xf32>,
      %parallel_loop3A_526 = arith.constant 2 : i32
      %parallel_loop3A_527 = arith.index_cast %parallel_loop3A_526 : i32 to index
      %parallel_loop3A_528 = arith.index_cast %parallel_loop3A_425 : i32 to index
      %parallel_loop3A_529 = arith.constant 80 : index
      %parallel_loop3A_530 = tpu.vector_load %arg8[%parallel_loop3A_527, %parallel_loop3A_528, %parallel_loop3A_529] {strides = array<i32>} : memref<3x128x128xf32, #tpu.memory_space<vmem>>, vector<1x1x16xf32>,
      %parallel_loop3A_531 = vector.shape_cast %parallel_loop3A_530 : vector<1x1x16xf32> to vector<16xf32>
      %parallel_loop3A_532 = arith.constant 2 : i32
      %parallel_loop3A_533 = arith.index_cast %parallel_loop3A_532 : i32 to index
      %parallel_loop3A_534 = arith.index_cast %parallel_loop3A_425 : i32 to index
      %parallel_loop3A_535 = arith.constant 80 : index
      %parallel_loop3A_536 = tpu.vector_load %arg7[%parallel_loop3A_533, %parallel_loop3A_534, %parallel_loop3A_535] {strides = array<i32>} : memref<3x128x128xf32, #tpu.memory_space<vmem>>, vector<1x1x16xf32>,
      %parallel_loop3A_537 = vector.shape_cast %parallel_loop3A_536 : vector<1x1x16xf32> to vector<16xf32>
      %parallel_loop3A_538 = arith.mulf %parallel_loop3A_531, %parallel_loop3A_537 : vector<16xf32>
      %parallel_loop3A_539 = arith.constant 2 : i32
      %parallel_loop3A_540 = arith.index_cast %parallel_loop3A_539 : i32 to index
      %parallel_loop3A_541 = arith.index_cast %parallel_loop3A_425 : i32 to index
      %parallel_loop3A_542 = arith.constant 80 : index
      %parallel_loop3A_543 = tpu.vector_load %arg8[%parallel_loop3A_540, %parallel_loop3A_541, %parallel_loop3A_542] {strides = array<i32>} : memref<3x128x128xf32, #tpu.memory_space<vmem>>, vector<1x1x16xf32>,
      %parallel_loop3A_544 = vector.shape_cast %parallel_loop3A_543 : vector<1x1x16xf32> to vector<16xf32>
      %parallel_loop3A_545 = vector.shape_cast %parallel_loop3A_538 : vector<16xf32> to vector<1x1x16xf32>
      tpu.vector_store %arg8[%parallel_loop3A_540, %parallel_loop3A_541, %parallel_loop3A_542], %parallel_loop3A_545 {strides = array<i32>} : memref<3x128x128xf32, #tpu.memory_space<vmem>>, vector<1x1x16xf32>,
      %parallel_loop3A_546 = arith.constant 2 : i32
      %parallel_loop3A_547 = arith.index_cast %parallel_loop3A_546 : i32 to index
      %parallel_loop3A_548 = arith.index_cast %parallel_loop3A_425 : i32 to index
      %parallel_loop3A_549 = arith.constant 96 : index
      %parallel_loop3A_550 = tpu.vector_load %arg8[%parallel_loop3A_547, %parallel_loop3A_548, %parallel_loop3A_549] {strides = array<i32>} : memref<3x128x128xf32, #tpu.memory_space<vmem>>, vector<1x1x16xf32>,
      %parallel_loop3A_551 = vector.shape_cast %parallel_loop3A_550 : vector<1x1x16xf32> to vector<16xf32>
      %parallel_loop3A_552 = arith.constant 2 : i32
      %parallel_loop3A_553 = arith.index_cast %parallel_loop3A_552 : i32 to index
      %parallel_loop3A_554 = arith.index_cast %parallel_loop3A_425 : i32 to index
      %parallel_loop3A_555 = arith.constant 96 : index
      %parallel_loop3A_556 = tpu.vector_load %arg7[%parallel_loop3A_553, %parallel_loop3A_554, %parallel_loop3A_555] {strides = array<i32>} : memref<3x128x128xf32, #tpu.memory_space<vmem>>, vector<1x1x16xf32>,
      %parallel_loop3A_557 = vector.shape_cast %parallel_loop3A_556 : vector<1x1x16xf32> to vector<16xf32>
      %parallel_loop3A_558 = arith.mulf %parallel_loop3A_551, %parallel_loop3A_557 : vector<16xf32>
      %parallel_loop3A_559 = arith.constant 2 : i32
      %parallel_loop3A_560 = arith.index_cast %parallel_loop3A_559 : i32 to index
      %parallel_loop3A_561 = arith.index_cast %parallel_loop3A_425 : i32 to index
      %parallel_loop3A_562 = arith.constant 96 : index
      %parallel_loop3A_563 = tpu.vector_load %arg8[%parallel_loop3A_560, %parallel_loop3A_561, %parallel_loop3A_562] {strides = array<i32>} : memref<3x128x128xf32, #tpu.memory_space<vmem>>, vector<1x1x16xf32>,
      %parallel_loop3A_564 = vector.shape_cast %parallel_loop3A_563 : vector<1x1x16xf32> to vector<16xf32>
      %parallel_loop3A_565 = vector.shape_cast %parallel_loop3A_558 : vector<16xf32> to vector<1x1x16xf32>
      tpu.vector_store %arg8[%parallel_loop3A_560, %parallel_loop3A_561, %parallel_loop3A_562], %parallel_loop3A_565 {strides = array<i32>} : memref<3x128x128xf32, #tpu.memory_space<vmem>>, vector<1x1x16xf32>,
      %parallel_loop3A_566 = arith.constant 2 : i32
      %parallel_loop3A_567 = arith.index_cast %parallel_loop3A_566 : i32 to index
      %parallel_loop3A_568 = arith.index_cast %parallel_loop3A_425 : i32 to index
      %parallel_loop3A_569 = arith.constant 112 : index
      %parallel_loop3A_570 = tpu.vector_load %arg8[%parallel_loop3A_567, %parallel_loop3A_568, %parallel_loop3A_569] {strides = array<i32>} : memref<3x128x128xf32, #tpu.memory_space<vmem>>, vector<1x1x16xf32>,
      %parallel_loop3A_571 = vector.shape_cast %parallel_loop3A_570 : vector<1x1x16xf32> to vector<16xf32>
      %parallel_loop3A_572 = arith.constant 2 : i32
      %parallel_loop3A_573 = arith.index_cast %parallel_loop3A_572 : i32 to index
      %parallel_loop3A_574 = arith.index_cast %parallel_loop3A_425 : i32 to index
      %parallel_loop3A_575 = arith.constant 112 : index
      %parallel_loop3A_576 = tpu.vector_load %arg7[%parallel_loop3A_573, %parallel_loop3A_574, %parallel_loop3A_575] {strides = array<i32>} : memref<3x128x128xf32, #tpu.memory_space<vmem>>, vector<1x1x16xf32>,
      %parallel_loop3A_577 = vector.shape_cast %parallel_loop3A_576 : vector<1x1x16xf32> to vector<16xf32>
      %parallel_loop3A_578 = arith.mulf %parallel_loop3A_571, %parallel_loop3A_577 : vector<16xf32>
      %parallel_loop3A_579 = arith.constant 2 : i32
      %parallel_loop3A_580 = arith.index_cast %parallel_loop3A_579 : i32 to index
      %parallel_loop3A_581 = arith.index_cast %parallel_loop3A_425 : i32 to index
      %parallel_loop3A_582 = arith.constant 112 : index
      %parallel_loop3A_583 = tpu.vector_load %arg8[%parallel_loop3A_580, %parallel_loop3A_581, %parallel_loop3A_582] {strides = array<i32>} : memref<3x128x128xf32, #tpu.memory_space<vmem>>, vector<1x1x16xf32>,
      %parallel_loop3A_584 = vector.shape_cast %parallel_loop3A_583 : vector<1x1x16xf32> to vector<16xf32>
      %parallel_loop3A_585 = vector.shape_cast %parallel_loop3A_578 : vector<16xf32> to vector<1x1x16xf32>
      tpu.vector_store %arg8[%parallel_loop3A_580, %parallel_loop3A_581, %parallel_loop3A_582], %parallel_loop3A_585 {strides = array<i32>} : memref<3x128x128xf32, #tpu.memory_space<vmem>>, vector<1x1x16xf32>,
    } {sc.loop_unroll_factor = 4 : i64, sc.parallel_access}
    %add3A_299 = arith.constant 256 : i32
    %add3A_300 = arith.addi %mul3A_2, %add3A_299 : i32
    %dma_start3A_301 = arith.constant 2 : i32
    %dma_start3A_302 = arith.constant 2 : i32
    %dma_start3A_303 = arith.constant 0 : i32
    %dma_start3A_304 = arith.constant 0 : i32
    %dma_start3A_305 = tpu.memref_slice %arg8[%dma_start3A_301, %dma_start3A_303, %dma_start3A_304] : memref<3x128x128xf32, #tpu.memory_space<vmem>> -> memref<1x128x128xf32, #tpu.memory_space<vmem>>
    %dma_start3A_306 = tpu.memref_squeeze %dma_start3A_305 : memref<1x128x128xf32, #tpu.memory_space<vmem>> -> memref<128x128xf32, #tpu.memory_space<vmem>>
    %dma_start3A_307 = arith.constant 0 : i32
    %dma_start3A_308 = tpu.memref_slice %arg5[%add3A_300, %dma_start3A_307] : memref<16384x128xf32, #tpu.memory_space<hbm>> -> memref<128x128xf32, #tpu.memory_space<hbm>>
    %dma_start3A_309 = tpu.memref_slice %arg12[%dma_start3A_302] : memref<3x!tpu.dma_semaphore, #tpu.memory_space<semaphore_mem>> -> memref<1x!tpu.dma_semaphore, #tpu.memory_space<semaphore_mem>>
    %dma_start3A_310 = tpu.memref_squeeze %dma_start3A_309 : memref<1x!tpu.dma_semaphore, #tpu.memory_space<semaphore_mem>> -> memref<!tpu.dma_semaphore, #tpu.memory_space<semaphore_mem>>
    %dma_start3A_311 = arith.constant 0 : i32
    %dma_start3A_312 = tpu.memref_slice %arg5[%add3A_300, %dma_start3A_311] : memref<16384x128xf32, #tpu.memory_space<hbm>> -> memref<128x128xf32, #tpu.memory_space<hbm>>
    %dma_start3A_313 = arith.constant 0 : i32
    %dma_start3A_314 = arith.constant 0 : i32
    %dma_start3A_315 = tpu.memref_slice %arg8[%dma_start3A_301, %dma_start3A_313, %dma_start3A_314] : memref<3x128x128xf32, #tpu.memory_space<vmem>> -> memref<1x128x128xf32, #tpu.memory_space<vmem>>
    %dma_start3A_316 = tpu.memref_squeeze %dma_start3A_315 : memref<1x128x128xf32, #tpu.memory_space<vmem>> -> memref<128x128xf32, #tpu.memory_space<vmem>>
    tpu.enqueue_dma source(%dma_start3A_316 : memref<128x128xf32, #tpu.memory_space<vmem>>) target(%dma_start3A_312 : memref<128x128xf32, #tpu.memory_space<hbm>>) target_semaphore(%dma_start3A_310 : memref<!tpu.dma_semaphore, #tpu.memory_space<semaphore_mem>>)
    %dma_wait3A_317 = arith.constant 3 : i32
    %dma_wait3A_318 = arith.constant 0 : i32
    %dma_wait3A_319 = arith.constant 0 : i32
    %dma_wait3A_320 = arith.constant 0 : i32
    %dma_wait3A_321 = arith.constant 0 : i32
    %dma_wait3A_322 = tpu.memref_slice %arg7[%dma_wait3A_318, %dma_wait3A_320, %dma_wait3A_321] : memref<3x128x128xf32, #tpu.memory_space<vmem>> -> memref<1x128x128xf32, #tpu.memory_space<vmem>>
    %dma_wait3A_323 = tpu.memref_squeeze %dma_wait3A_322 : memref<1x128x128xf32, #tpu.memory_space<vmem>> -> memref<128x128xf32, #tpu.memory_space<vmem>>
    %dma_wait3A_324 = arith.constant 0 : i32
    %dma_wait3A_325 = tpu.memref_slice %arg6[%dma_wait3A_317, %dma_wait3A_324] : memref<4x128xi32, #tpu.memory_space<vmem>> -> memref<1x128xi32, #tpu.memory_space<vmem>>
    %dma_wait3A_326 = tpu.memref_squeeze %dma_wait3A_325 : memref<1x128xi32, #tpu.memory_space<vmem>> -> memref<128xi32, #tpu.memory_space<vmem>>
    %dma_wait3A_327 = arith.constant 0 : i32
    %dma_wait3A_328 = arith.constant 0 : i32
    %dma_wait3A_329 = tpu.memref_slice %arg9[%dma_wait3A_327, %dma_wait3A_328] : memref<1000x128xf32, #tpu.memory_space<vmem_shared>> -> memref<1000x128xf32, #tpu.memory_space<vmem_shared>>
    %dma_wait3A_330 = tpu.memref_slice %arg10[%dma_wait3A_319] : memref<3x!tpu.dma_semaphore, #tpu.memory_space<semaphore_mem>> -> memref<1x!tpu.dma_semaphore, #tpu.memory_space<semaphore_mem>>
    %dma_wait3A_331 = tpu.memref_squeeze %dma_wait3A_330 : memref<1x!tpu.dma_semaphore, #tpu.memory_space<semaphore_mem>> -> memref<!tpu.dma_semaphore, #tpu.memory_space<semaphore_mem>>
    tpu.wait_indirect_dma semaphore(%dma_wait3A_331 : memref<!tpu.dma_semaphore, #tpu.memory_space<semaphore_mem>>) src(%dma_wait3A_329 : memref<1000x128xf32, #tpu.memory_space<vmem_shared>>) dst(%dma_wait3A_323 : memref<128x128xf32, #tpu.memory_space<vmem>>)
    %add3A_332 = arith.constant 384 : i32
    %add3A_333 = arith.addi %mul3A_2, %add3A_332 : i32
    %dma_wait3A_334 = arith.constant 0 : i32
    %dma_wait3A_335 = arith.constant 0 : i32
    %dma_wait3A_336 = arith.constant 0 : i32
    %dma_wait3A_337 = arith.constant 0 : i32
    %dma_wait3A_338 = tpu.memref_slice %arg8[%dma_wait3A_334, %dma_wait3A_336, %dma_wait3A_337] : memref<3x128x128xf32, #tpu.memory_space<vmem>> -> memref<1x128x128xf32, #tpu.memory_space<vmem>>
    %dma_wait3A_339 = tpu.memref_squeeze %dma_wait3A_338 : memref<1x128x128xf32, #tpu.memory_space<vmem>> -> memref<128x128xf32, #tpu.memory_space<vmem>>
    %dma_wait3A_340 = arith.constant 0 : i32
    %dma_wait3A_341 = tpu.memref_slice %arg2[%add3A_333, %dma_wait3A_340] : memref<16384x128xf32, #tpu.memory_space<hbm>> -> memref<128x128xf32, #tpu.memory_space<hbm>>
    %dma_wait3A_342 = tpu.memref_slice %arg11[%dma_wait3A_335] : memref<3x!tpu.dma_semaphore, #tpu.memory_space<semaphore_mem>> -> memref<1x!tpu.dma_semaphore, #tpu.memory_space<semaphore_mem>>
    %dma_wait3A_343 = tpu.memref_squeeze %dma_wait3A_342 : memref<1x!tpu.dma_semaphore, #tpu.memory_space<semaphore_mem>> -> memref<!tpu.dma_semaphore, #tpu.memory_space<semaphore_mem>>
    %dma_wait3A_344 = arith.constant 0 : i32
    %dma_wait3A_345 = arith.constant 0 : i32
    %dma_wait3A_346 = tpu.memref_slice %arg8[%dma_wait3A_334, %dma_wait3A_344, %dma_wait3A_345] : memref<3x128x128xf32, #tpu.memory_space<vmem>> -> memref<1x128x128xf32, #tpu.memory_space<vmem>>
    %dma_wait3A_347 = tpu.memref_squeeze %dma_wait3A_346 : memref<1x128x128xf32, #tpu.memory_space<vmem>> -> memref<128x128xf32, #tpu.memory_space<vmem>>
    %dma_wait3A_348 = arith.constant 0 : i32
    %dma_wait3A_349 = tpu.memref_slice %arg2[%add3A_333, %dma_wait3A_348] : memref<16384x128xf32, #tpu.memory_space<hbm>> -> memref<128x128xf32, #tpu.memory_space<hbm>>
    tpu.wait_dma2 semaphore(%dma_wait3A_343 : memref<!tpu.dma_semaphore, #tpu.memory_space<semaphore_mem>>) src(%dma_wait3A_349 : memref<128x128xf32, #tpu.memory_space<hbm>>) dst(%dma_wait3A_347 : memref<128x128xf32, #tpu.memory_space<vmem>>)
    %parallel_loop3A_350 = arith.constant 0 : i32
    %parallel_loop3A_351 = arith.constant 128 : i32
    %parallel_loop3A_352 = arith.constant 1 : i32
    scf.for %parallel_loop3A_425 = %parallel_loop3A_350 to %parallel_loop3A_351 step %parallel_loop3A_352  : i32 {
      %parallel_loop3A_426 = arith.constant 0 : i32
      %parallel_loop3A_427 = arith.index_cast %parallel_loop3A_426 : i32 to index
      %parallel_loop3A_428 = arith.index_cast %parallel_loop3A_425 : i32 to index
      %parallel_loop3A_429 = arith.constant 0 : index
      %parallel_loop3A_430 = tpu.vector_load %arg8[%parallel_loop3A_427, %parallel_loop3A_428, %parallel_loop3A_429] {strides = array<i32>} : memref<3x128x128xf32, #tpu.memory_space<vmem>>, vector<1x1x16xf32>,
      %parallel_loop3A_431 = vector.shape_cast %parallel_loop3A_430 : vector<1x1x16xf32> to vector<16xf32>
      %parallel_loop3A_432 = arith.constant 0 : i32
      %parallel_loop3A_433 = arith.index_cast %parallel_loop3A_432 : i32 to index
      %parallel_loop3A_434 = arith.index_cast %parallel_loop3A_425 : i32 to index
      %parallel_loop3A_435 = arith.constant 0 : index
      %parallel_loop3A_436 = tpu.vector_load %arg7[%parallel_loop3A_433, %parallel_loop3A_434, %parallel_loop3A_435] {strides = array<i32>} : memref<3x128x128xf32, #tpu.memory_space<vmem>>, vector<1x1x16xf32>,
      %parallel_loop3A_437 = vector.shape_cast %parallel_loop3A_436 : vector<1x1x16xf32> to vector<16xf32>
      %parallel_loop3A_438 = arith.mulf %parallel_loop3A_431, %parallel_loop3A_437 : vector<16xf32>
      %parallel_loop3A_439 = arith.constant 0 : i32
      %parallel_loop3A_440 = arith.index_cast %parallel_loop3A_439 : i32 to index
      %parallel_loop3A_441 = arith.index_cast %parallel_loop3A_425 : i32 to index
      %parallel_loop3A_442 = arith.constant 0 : index
      %parallel_loop3A_443 = tpu.vector_load %arg8[%parallel_loop3A_440, %parallel_loop3A_441, %parallel_loop3A_442] {strides = array<i32>} : memref<3x128x128xf32, #tpu.memory_space<vmem>>, vector<1x1x16xf32>,
      %parallel_loop3A_444 = vector.shape_cast %parallel_loop3A_443 : vector<1x1x16xf32> to vector<16xf32>
      %parallel_loop3A_445 = vector.shape_cast %parallel_loop3A_438 : vector<16xf32> to vector<1x1x16xf32>
      tpu.vector_store %arg8[%parallel_loop3A_440, %parallel_loop3A_441, %parallel_loop3A_442], %parallel_loop3A_445 {strides = array<i32>} : memref<3x128x128xf32, #tpu.memory_space<vmem>>, vector<1x1x16xf32>,
      %parallel_loop3A_446 = arith.constant 0 : i32
      %parallel_loop3A_447 = arith.index_cast %parallel_loop3A_446 : i32 to index
      %parallel_loop3A_448 = arith.index_cast %parallel_loop3A_425 : i32 to index
      %parallel_loop3A_449 = arith.constant 16 : index
      %parallel_loop3A_450 = tpu.vector_load %arg8[%parallel_loop3A_447, %parallel_loop3A_448, %parallel_loop3A_449] {strides = array<i32>} : memref<3x128x128xf32, #tpu.memory_space<vmem>>, vector<1x1x16xf32>,
      %parallel_loop3A_451 = vector.shape_cast %parallel_loop3A_450 : vector<1x1x16xf32> to vector<16xf32>
      %parallel_loop3A_452 = arith.constant 0 : i32
      %parallel_loop3A_453 = arith.index_cast %parallel_loop3A_452 : i32 to index
      %parallel_loop3A_454 = arith.index_cast %parallel_loop3A_425 : i32 to index
      %parallel_loop3A_455 = arith.constant 16 : index
      %parallel_loop3A_456 = tpu.vector_load %arg7[%parallel_loop3A_453, %parallel_loop3A_454, %parallel_loop3A_455] {strides = array<i32>} : memref<3x128x128xf32, #tpu.memory_space<vmem>>, vector<1x1x16xf32>,
      %parallel_loop3A_457 = vector.shape_cast %parallel_loop3A_456 : vector<1x1x16xf32> to vector<16xf32>
      %parallel_loop3A_458 = arith.mulf %parallel_loop3A_451, %parallel_loop3A_457 : vector<16xf32>
      %parallel_loop3A_459 = arith.constant 0 : i32
      %parallel_loop3A_460 = arith.index_cast %parallel_loop3A_459 : i32 to index
      %parallel_loop3A_461 = arith.index_cast %parallel_loop3A_425 : i32 to index
      %parallel_loop3A_462 = arith.constant 16 : index
      %parallel_loop3A_463 = tpu.vector_load %arg8[%parallel_loop3A_460, %parallel_loop3A_461, %parallel_loop3A_462] {strides = array<i32>} : memref<3x128x128xf32, #tpu.memory_space<vmem>>, vector<1x1x16xf32>,
      %parallel_loop3A_464 = vector.shape_cast %parallel_loop3A_463 : vector<1x1x16xf32> to vector<16xf32>
      %parallel_loop3A_465 = vector.shape_cast %parallel_loop3A_458 : vector<16xf32> to vector<1x1x16xf32>
      tpu.vector_store %arg8[%parallel_loop3A_460, %parallel_loop3A_461, %parallel_loop3A_462], %parallel_loop3A_465 {strides = array<i32>} : memref<3x128x128xf32, #tpu.memory_space<vmem>>, vector<1x1x16xf32>,
      %parallel_loop3A_466 = arith.constant 0 : i32
      %parallel_loop3A_467 = arith.index_cast %parallel_loop3A_466 : i32 to index
      %parallel_loop3A_468 = arith.index_cast %parallel_loop3A_425 : i32 to index
      %parallel_loop3A_469 = arith.constant 32 : index
      %parallel_loop3A_470 = tpu.vector_load %arg8[%parallel_loop3A_467, %parallel_loop3A_468, %parallel_loop3A_469] {strides = array<i32>} : memref<3x128x128xf32, #tpu.memory_space<vmem>>, vector<1x1x16xf32>,
      %parallel_loop3A_471 = vector.shape_cast %parallel_loop3A_470 : vector<1x1x16xf32> to vector<16xf32>
      %parallel_loop3A_472 = arith.constant 0 : i32
      %parallel_loop3A_473 = arith.index_cast %parallel_loop3A_472 : i32 to index
      %parallel_loop3A_474 = arith.index_cast %parallel_loop3A_425 : i32 to index
      %parallel_loop3A_475 = arith.constant 32 : index
      %parallel_loop3A_476 = tpu.vector_load %arg7[%parallel_loop3A_473, %parallel_loop3A_474, %parallel_loop3A_475] {strides = array<i32>} : memref<3x128x128xf32, #tpu.memory_space<vmem>>, vector<1x1x16xf32>,
      %parallel_loop3A_477 = vector.shape_cast %parallel_loop3A_476 : vector<1x1x16xf32> to vector<16xf32>
      %parallel_loop3A_478 = arith.mulf %parallel_loop3A_471, %parallel_loop3A_477 : vector<16xf32>
      %parallel_loop3A_479 = arith.constant 0 : i32
      %parallel_loop3A_480 = arith.index_cast %parallel_loop3A_479 : i32 to index
      %parallel_loop3A_481 = arith.index_cast %parallel_loop3A_425 : i32 to index
      %parallel_loop3A_482 = arith.constant 32 : index
      %parallel_loop3A_483 = tpu.vector_load %arg8[%parallel_loop3A_480, %parallel_loop3A_481, %parallel_loop3A_482] {strides = array<i32>} : memref<3x128x128xf32, #tpu.memory_space<vmem>>, vector<1x1x16xf32>,
      %parallel_loop3A_484 = vector.shape_cast %parallel_loop3A_483 : vector<1x1x16xf32> to vector<16xf32>
      %parallel_loop3A_485 = vector.shape_cast %parallel_loop3A_478 : vector<16xf32> to vector<1x1x16xf32>
      tpu.vector_store %arg8[%parallel_loop3A_480, %parallel_loop3A_481, %parallel_loop3A_482], %parallel_loop3A_485 {strides = array<i32>} : memref<3x128x128xf32, #tpu.memory_space<vmem>>, vector<1x1x16xf32>,
      %parallel_loop3A_486 = arith.constant 0 : i32
      %parallel_loop3A_487 = arith.index_cast %parallel_loop3A_486 : i32 to index
      %parallel_loop3A_488 = arith.index_cast %parallel_loop3A_425 : i32 to index
      %parallel_loop3A_489 = arith.constant 48 : index
      %parallel_loop3A_490 = tpu.vector_load %arg8[%parallel_loop3A_487, %parallel_loop3A_488, %parallel_loop3A_489] {strides = array<i32>} : memref<3x128x128xf32, #tpu.memory_space<vmem>>, vector<1x1x16xf32>,
      %parallel_loop3A_491 = vector.shape_cast %parallel_loop3A_490 : vector<1x1x16xf32> to vector<16xf32>
      %parallel_loop3A_492 = arith.constant 0 : i32
      %parallel_loop3A_493 = arith.index_cast %parallel_loop3A_492 : i32 to index
      %parallel_loop3A_494 = arith.index_cast %parallel_loop3A_425 : i32 to index
      %parallel_loop3A_495 = arith.constant 48 : index
      %parallel_loop3A_496 = tpu.vector_load %arg7[%parallel_loop3A_493, %parallel_loop3A_494, %parallel_loop3A_495] {strides = array<i32>} : memref<3x128x128xf32, #tpu.memory_space<vmem>>, vector<1x1x16xf32>,
      %parallel_loop3A_497 = vector.shape_cast %parallel_loop3A_496 : vector<1x1x16xf32> to vector<16xf32>
      %parallel_loop3A_498 = arith.mulf %parallel_loop3A_491, %parallel_loop3A_497 : vector<16xf32>
      %parallel_loop3A_499 = arith.constant 0 : i32
      %parallel_loop3A_500 = arith.index_cast %parallel_loop3A_499 : i32 to index
      %parallel_loop3A_501 = arith.index_cast %parallel_loop3A_425 : i32 to index
      %parallel_loop3A_502 = arith.constant 48 : index
      %parallel_loop3A_503 = tpu.vector_load %arg8[%parallel_loop3A_500, %parallel_loop3A_501, %parallel_loop3A_502] {strides = array<i32>} : memref<3x128x128xf32, #tpu.memory_space<vmem>>, vector<1x1x16xf32>,
      %parallel_loop3A_504 = vector.shape_cast %parallel_loop3A_503 : vector<1x1x16xf32> to vector<16xf32>
      %parallel_loop3A_505 = vector.shape_cast %parallel_loop3A_498 : vector<16xf32> to vector<1x1x16xf32>
      tpu.vector_store %arg8[%parallel_loop3A_500, %parallel_loop3A_501, %parallel_loop3A_502], %parallel_loop3A_505 {strides = array<i32>} : memref<3x128x128xf32, #tpu.memory_space<vmem>>, vector<1x1x16xf32>,
      %parallel_loop3A_506 = arith.constant 0 : i32
      %parallel_loop3A_507 = arith.index_cast %parallel_loop3A_506 : i32 to index
      %parallel_loop3A_508 = arith.index_cast %parallel_loop3A_425 : i32 to index
      %parallel_loop3A_509 = arith.constant 64 : index
      %parallel_loop3A_510 = tpu.vector_load %arg8[%parallel_loop3A_507, %parallel_loop3A_508, %parallel_loop3A_509] {strides = array<i32>} : memref<3x128x128xf32, #tpu.memory_space<vmem>>, vector<1x1x16xf32>,
      %parallel_loop3A_511 = vector.shape_cast %parallel_loop3A_510 : vector<1x1x16xf32> to vector<16xf32>
      %parallel_loop3A_512 = arith.constant 0 : i32
      %parallel_loop3A_513 = arith.index_cast %parallel_loop3A_512 : i32 to index
      %parallel_loop3A_514 = arith.index_cast %parallel_loop3A_425 : i32 to index
      %parallel_loop3A_515 = arith.constant 64 : index
      %parallel_loop3A_516 = tpu.vector_load %arg7[%parallel_loop3A_513, %parallel_loop3A_514, %parallel_loop3A_515] {strides = array<i32>} : memref<3x128x128xf32, #tpu.memory_space<vmem>>, vector<1x1x16xf32>,
      %parallel_loop3A_517 = vector.shape_cast %parallel_loop3A_516 : vector<1x1x16xf32> to vector<16xf32>
      %parallel_loop3A_518 = arith.mulf %parallel_loop3A_511, %parallel_loop3A_517 : vector<16xf32>
      %parallel_loop3A_519 = arith.constant 0 : i32
      %parallel_loop3A_520 = arith.index_cast %parallel_loop3A_519 : i32 to index
      %parallel_loop3A_521 = arith.index_cast %parallel_loop3A_425 : i32 to index
      %parallel_loop3A_522 = arith.constant 64 : index
      %parallel_loop3A_523 = tpu.vector_load %arg8[%parallel_loop3A_520, %parallel_loop3A_521, %parallel_loop3A_522] {strides = array<i32>} : memref<3x128x128xf32, #tpu.memory_space<vmem>>, vector<1x1x16xf32>,
      %parallel_loop3A_524 = vector.shape_cast %parallel_loop3A_523 : vector<1x1x16xf32> to vector<16xf32>
      %parallel_loop3A_525 = vector.shape_cast %parallel_loop3A_518 : vector<16xf32> to vector<1x1x16xf32>
      tpu.vector_store %arg8[%parallel_loop3A_520, %parallel_loop3A_521, %parallel_loop3A_522], %parallel_loop3A_525 {strides = array<i32>} : memref<3x128x128xf32, #tpu.memory_space<vmem>>, vector<1x1x16xf32>,
      %parallel_loop3A_526 = arith.constant 0 : i32
      %parallel_loop3A_527 = arith.index_cast %parallel_loop3A_526 : i32 to index
      %parallel_loop3A_528 = arith.index_cast %parallel_loop3A_425 : i32 to index
      %parallel_loop3A_529 = arith.constant 80 : index
      %parallel_loop3A_530 = tpu.vector_load %arg8[%parallel_loop3A_527, %parallel_loop3A_528, %parallel_loop3A_529] {strides = array<i32>} : memref<3x128x128xf32, #tpu.memory_space<vmem>>, vector<1x1x16xf32>,
      %parallel_loop3A_531 = vector.shape_cast %parallel_loop3A_530 : vector<1x1x16xf32> to vector<16xf32>
      %parallel_loop3A_532 = arith.constant 0 : i32
      %parallel_loop3A_533 = arith.index_cast %parallel_loop3A_532 : i32 to index
      %parallel_loop3A_534 = arith.index_cast %parallel_loop3A_425 : i32 to index
      %parallel_loop3A_535 = arith.constant 80 : index
      %parallel_loop3A_536 = tpu.vector_load %arg7[%parallel_loop3A_533, %parallel_loop3A_534, %parallel_loop3A_535] {strides = array<i32>} : memref<3x128x128xf32, #tpu.memory_space<vmem>>, vector<1x1x16xf32>,
      %parallel_loop3A_537 = vector.shape_cast %parallel_loop3A_536 : vector<1x1x16xf32> to vector<16xf32>
      %parallel_loop3A_538 = arith.mulf %parallel_loop3A_531, %parallel_loop3A_537 : vector<16xf32>
      %parallel_loop3A_539 = arith.constant 0 : i32
      %parallel_loop3A_540 = arith.index_cast %parallel_loop3A_539 : i32 to index
      %parallel_loop3A_541 = arith.index_cast %parallel_loop3A_425 : i32 to index
      %parallel_loop3A_542 = arith.constant 80 : index
      %parallel_loop3A_543 = tpu.vector_load %arg8[%parallel_loop3A_540, %parallel_loop3A_541, %parallel_loop3A_542] {strides = array<i32>} : memref<3x128x128xf32, #tpu.memory_space<vmem>>, vector<1x1x16xf32>,
      %parallel_loop3A_544 = vector.shape_cast %parallel_loop3A_543 : vector<1x1x16xf32> to vector<16xf32>
      %parallel_loop3A_545 = vector.shape_cast %parallel_loop3A_538 : vector<16xf32> to vector<1x1x16xf32>
      tpu.vector_store %arg8[%parallel_loop3A_540, %parallel_loop3A_541, %parallel_loop3A_542], %parallel_loop3A_545 {strides = array<i32>} : memref<3x128x128xf32, #tpu.memory_space<vmem>>, vector<1x1x16xf32>,
      %parallel_loop3A_546 = arith.constant 0 : i32
      %parallel_loop3A_547 = arith.index_cast %parallel_loop3A_546 : i32 to index
      %parallel_loop3A_548 = arith.index_cast %parallel_loop3A_425 : i32 to index
      %parallel_loop3A_549 = arith.constant 96 : index
      %parallel_loop3A_550 = tpu.vector_load %arg8[%parallel_loop3A_547, %parallel_loop3A_548, %parallel_loop3A_549] {strides = array<i32>} : memref<3x128x128xf32, #tpu.memory_space<vmem>>, vector<1x1x16xf32>,
      %parallel_loop3A_551 = vector.shape_cast %parallel_loop3A_550 : vector<1x1x16xf32> to vector<16xf32>
      %parallel_loop3A_552 = arith.constant 0 : i32
      %parallel_loop3A_553 = arith.index_cast %parallel_loop3A_552 : i32 to index
      %parallel_loop3A_554 = arith.index_cast %parallel_loop3A_425 : i32 to index
      %parallel_loop3A_555 = arith.constant 96 : index
      %parallel_loop3A_556 = tpu.vector_load %arg7[%parallel_loop3A_553, %parallel_loop3A_554, %parallel_loop3A_555] {strides = array<i32>} : memref<3x128x128xf32, #tpu.memory_space<vmem>>, vector<1x1x16xf32>,
      %parallel_loop3A_557 = vector.shape_cast %parallel_loop3A_556 : vector<1x1x16xf32> to vector<16xf32>
      %parallel_loop3A_558 = arith.mulf %parallel_loop3A_551, %parallel_loop3A_557 : vector<16xf32>
      %parallel_loop3A_559 = arith.constant 0 : i32
      %parallel_loop3A_560 = arith.index_cast %parallel_loop3A_559 : i32 to index
      %parallel_loop3A_561 = arith.index_cast %parallel_loop3A_425 : i32 to index
      %parallel_loop3A_562 = arith.constant 96 : index
      %parallel_loop3A_563 = tpu.vector_load %arg8[%parallel_loop3A_560, %parallel_loop3A_561, %parallel_loop3A_562] {strides = array<i32>} : memref<3x128x128xf32, #tpu.memory_space<vmem>>, vector<1x1x16xf32>,
      %parallel_loop3A_564 = vector.shape_cast %parallel_loop3A_563 : vector<1x1x16xf32> to vector<16xf32>
      %parallel_loop3A_565 = vector.shape_cast %parallel_loop3A_558 : vector<16xf32> to vector<1x1x16xf32>
      tpu.vector_store %arg8[%parallel_loop3A_560, %parallel_loop3A_561, %parallel_loop3A_562], %parallel_loop3A_565 {strides = array<i32>} : memref<3x128x128xf32, #tpu.memory_space<vmem>>, vector<1x1x16xf32>,
      %parallel_loop3A_566 = arith.constant 0 : i32
      %parallel_loop3A_567 = arith.index_cast %parallel_loop3A_566 : i32 to index
      %parallel_loop3A_568 = arith.index_cast %parallel_loop3A_425 : i32 to index
      %parallel_loop3A_569 = arith.constant 112 : index
      %parallel_loop3A_570 = tpu.vector_load %arg8[%parallel_loop3A_567, %parallel_loop3A_568, %parallel_loop3A_569] {strides = array<i32>} : memref<3x128x128xf32, #tpu.memory_space<vmem>>, vector<1x1x16xf32>,
      %parallel_loop3A_571 = vector.shape_cast %parallel_loop3A_570 : vector<1x1x16xf32> to vector<16xf32>
      %parallel_loop3A_572 = arith.constant 0 : i32
      %parallel_loop3A_573 = arith.index_cast %parallel_loop3A_572 : i32 to index
      %parallel_loop3A_574 = arith.index_cast %parallel_loop3A_425 : i32 to index
      %parallel_loop3A_575 = arith.constant 112 : index
      %parallel_loop3A_576 = tpu.vector_load %arg7[%parallel_loop3A_573, %parallel_loop3A_574, %parallel_loop3A_575] {strides = array<i32>} : memref<3x128x128xf32, #tpu.memory_space<vmem>>, vector<1x1x16xf32>,
      %parallel_loop3A_577 = vector.shape_cast %parallel_loop3A_576 : vector<1x1x16xf32> to vector<16xf32>
      %parallel_loop3A_578 = arith.mulf %parallel_loop3A_571, %parallel_loop3A_577 : vector<16xf32>
      %parallel_loop3A_579 = arith.constant 0 : i32
      %parallel_loop3A_580 = arith.index_cast %parallel_loop3A_579 : i32 to index
      %parallel_loop3A_581 = arith.index_cast %parallel_loop3A_425 : i32 to index
      %parallel_loop3A_582 = arith.constant 112 : index
      %parallel_loop3A_583 = tpu.vector_load %arg8[%parallel_loop3A_580, %parallel_loop3A_581, %parallel_loop3A_582] {strides = array<i32>} : memref<3x128x128xf32, #tpu.memory_space<vmem>>, vector<1x1x16xf32>,
      %parallel_loop3A_584 = vector.shape_cast %parallel_loop3A_583 : vector<1x1x16xf32> to vector<16xf32>
      %parallel_loop3A_585 = vector.shape_cast %parallel_loop3A_578 : vector<16xf32> to vector<1x1x16xf32>
      tpu.vector_store %arg8[%parallel_loop3A_580, %parallel_loop3A_581, %parallel_loop3A_582], %parallel_loop3A_585 {strides = array<i32>} : memref<3x128x128xf32, #tpu.memory_space<vmem>>, vector<1x1x16xf32>,
    } {sc.loop_unroll_factor = 4 : i64, sc.parallel_access}
    %add3A_353 = arith.constant 384 : i32
    %add3A_354 = arith.addi %mul3A_2, %add3A_353 : i32
    %dma_start3A_355 = arith.constant 0 : i32
    %dma_start3A_356 = arith.constant 0 : i32
    %dma_start3A_357 = arith.constant 0 : i32
    %dma_start3A_358 = arith.constant 0 : i32
    %dma_start3A_359 = tpu.memref_slice %arg8[%dma_start3A_355, %dma_start3A_357, %dma_start3A_358] : memref<3x128x128xf32, #tpu.memory_space<vmem>> -> memref<1x128x128xf32, #tpu.memory_space<vmem>>
    %dma_start3A_360 = tpu.memref_squeeze %dma_start3A_359 : memref<1x128x128xf32, #tpu.memory_space<vmem>> -> memref<128x128xf32, #tpu.memory_space<vmem>>
    %dma_start3A_361 = arith.constant 0 : i32
    %dma_start3A_362 = tpu.memref_slice %arg5[%add3A_354, %dma_start3A_361] : memref<16384x128xf32, #tpu.memory_space<hbm>> -> memref<128x128xf32, #tpu.memory_space<hbm>>
    %dma_start3A_363 = tpu.memref_slice %arg12[%dma_start3A_356] : memref<3x!tpu.dma_semaphore, #tpu.memory_space<semaphore_mem>> -> memref<1x!tpu.dma_semaphore, #tpu.memory_space<semaphore_mem>>
    %dma_start3A_364 = tpu.memref_squeeze %dma_start3A_363 : memref<1x!tpu.dma_semaphore, #tpu.memory_space<semaphore_mem>> -> memref<!tpu.dma_semaphore, #tpu.memory_space<semaphore_mem>>
    %dma_start3A_365 = arith.constant 0 : i32
    %dma_start3A_366 = tpu.memref_slice %arg5[%add3A_354, %dma_start3A_365] : memref<16384x128xf32, #tpu.memory_space<hbm>> -> memref<128x128xf32, #tpu.memory_space<hbm>>
    %dma_start3A_367 = arith.constant 0 : i32
    %dma_start3A_368 = arith.constant 0 : i32
    %dma_start3A_369 = tpu.memref_slice %arg8[%dma_start3A_355, %dma_start3A_367, %dma_start3A_368] : memref<3x128x128xf32, #tpu.memory_space<vmem>> -> memref<1x128x128xf32, #tpu.memory_space<vmem>>
    %dma_start3A_370 = tpu.memref_squeeze %dma_start3A_369 : memref<1x128x128xf32, #tpu.memory_space<vmem>> -> memref<128x128xf32, #tpu.memory_space<vmem>>
    tpu.enqueue_dma source(%dma_start3A_370 : memref<128x128xf32, #tpu.memory_space<vmem>>) target(%dma_start3A_366 : memref<128x128xf32, #tpu.memory_space<hbm>>) target_semaphore(%dma_start3A_364 : memref<!tpu.dma_semaphore, #tpu.memory_space<semaphore_mem>>)
    %add3A_371 = arith.constant 128 : i32
    %add3A_372 = arith.addi %mul3A_2, %add3A_371 : i32
    %dma_wait3A_373 = arith.constant 1 : i32
    %dma_wait3A_374 = arith.constant 1 : i32
    %dma_wait3A_375 = arith.constant 0 : i32
    %dma_wait3A_376 = arith.constant 0 : i32
    %dma_wait3A_377 = tpu.memref_slice %arg8[%dma_wait3A_373, %dma_wait3A_375, %dma_wait3A_376] : memref<3x128x128xf32, #tpu.memory_space<vmem>> -> memref<1x128x128xf32, #tpu.memory_space<vmem>>
    %dma_wait3A_378 = tpu.memref_squeeze %dma_wait3A_377 : memref<1x128x128xf32, #tpu.memory_space<vmem>> -> memref<128x128xf32, #tpu.memory_space<vmem>>
    %dma_wait3A_379 = arith.constant 0 : i32
    %dma_wait3A_380 = tpu.memref_slice %arg5[%add3A_372, %dma_wait3A_379] : memref<16384x128xf32, #tpu.memory_space<hbm>> -> memref<128x128xf32, #tpu.memory_space<hbm>>
    %dma_wait3A_381 = tpu.memref_slice %arg12[%dma_wait3A_374] : memref<3x!tpu.dma_semaphore, #tpu.memory_space<semaphore_mem>> -> memref<1x!tpu.dma_semaphore, #tpu.memory_space<semaphore_mem>>
    %dma_wait3A_382 = tpu.memref_squeeze %dma_wait3A_381 : memref<1x!tpu.dma_semaphore, #tpu.memory_space<semaphore_mem>> -> memref<!tpu.dma_semaphore, #tpu.memory_space<semaphore_mem>>
    %dma_wait3A_383 = arith.constant 0 : i32
    %dma_wait3A_384 = tpu.memref_slice %arg5[%add3A_372, %dma_wait3A_383] : memref<16384x128xf32, #tpu.memory_space<hbm>> -> memref<128x128xf32, #tpu.memory_space<hbm>>
    %dma_wait3A_385 = arith.constant 0 : i32
    %dma_wait3A_386 = arith.constant 0 : i32
    %dma_wait3A_387 = tpu.memref_slice %arg8[%dma_wait3A_373, %dma_wait3A_385, %dma_wait3A_386] : memref<3x128x128xf32, #tpu.memory_space<vmem>> -> memref<1x128x128xf32, #tpu.memory_space<vmem>>
    %dma_wait3A_388 = tpu.memref_squeeze %dma_wait3A_387 : memref<1x128x128xf32, #tpu.memory_space<vmem>> -> memref<128x128xf32, #tpu.memory_space<vmem>>
    tpu.wait_dma2 semaphore(%dma_wait3A_382 : memref<!tpu.dma_semaphore, #tpu.memory_space<semaphore_mem>>) src(%dma_wait3A_388 : memref<128x128xf32, #tpu.memory_space<vmem>>) dst(%dma_wait3A_384 : memref<128x128xf32, #tpu.memory_space<hbm>>)
    %add3A_389 = arith.constant 256 : i32
    %add3A_390 = arith.addi %mul3A_2, %add3A_389 : i32
    %dma_wait3A_391 = arith.constant 2 : i32
    %dma_wait3A_392 = arith.constant 2 : i32
    %dma_wait3A_393 = arith.constant 0 : i32
    %dma_wait3A_394 = arith.constant 0 : i32
    %dma_wait3A_395 = tpu.memref_slice %arg8[%dma_wait3A_391, %dma_wait3A_393, %dma_wait3A_394] : memref<3x128x128xf32, #tpu.memory_space<vmem>> -> memref<1x128x128xf32, #tpu.memory_space<vmem>>
    %dma_wait3A_396 = tpu.memref_squeeze %dma_wait3A_395 : memref<1x128x128xf32, #tpu.memory_space<vmem>> -> memref<128x128xf32, #tpu.memory_space<vmem>>
    %dma_wait3A_397 = arith.constant 0 : i32
    %dma_wait3A_398 = tpu.memref_slice %arg5[%add3A_390, %dma_wait3A_397] : memref<16384x128xf32, #tpu.memory_space<hbm>> -> memref<128x128xf32, #tpu.memory_space<hbm>>
    %dma_wait3A_399 = tpu.memref_slice %arg12[%dma_wait3A_392] : memref<3x!tpu.dma_semaphore, #tpu.memory_space<semaphore_mem>> -> memref<1x!tpu.dma_semaphore, #tpu.memory_space<semaphore_mem>>
    %dma_wait3A_400 = tpu.memref_squeeze %dma_wait3A_399 : memref<1x!tpu.dma_semaphore, #tpu.memory_space<semaphore_mem>> -> memref<!tpu.dma_semaphore, #tpu.memory_space<semaphore_mem>>
    %dma_wait3A_401 = arith.constant 0 : i32
    %dma_wait3A_402 = tpu.memref_slice %arg5[%add3A_390, %dma_wait3A_401] : memref<16384x128xf32, #tpu.memory_space<hbm>> -> memref<128x128xf32, #tpu.memory_space<hbm>>
    %dma_wait3A_403 = arith.constant 0 : i32
    %dma_wait3A_404 = arith.constant 0 : i32
    %dma_wait3A_405 = tpu.memref_slice %arg8[%dma_wait3A_391, %dma_wait3A_403, %dma_wait3A_404] : memref<3x128x128xf32, #tpu.memory_space<vmem>> -> memref<1x128x128xf32, #tpu.memory_space<vmem>>
    %dma_wait3A_406 = tpu.memref_squeeze %dma_wait3A_405 : memref<1x128x128xf32, #tpu.memory_space<vmem>> -> memref<128x128xf32, #tpu.memory_space<vmem>>
    tpu.wait_dma2 semaphore(%dma_wait3A_400 : memref<!tpu.dma_semaphore, #tpu.memory_space<semaphore_mem>>) src(%dma_wait3A_406 : memref<128x128xf32, #tpu.memory_space<vmem>>) dst(%dma_wait3A_402 : memref<128x128xf32, #tpu.memory_space<hbm>>)
    %add3A_407 = arith.constant 384 : i32
    %add3A_408 = arith.addi %mul3A_2, %add3A_407 : i32
    %dma_wait3A_409 = arith.constant 0 : i32
    %dma_wait3A_410 = arith.constant 0 : i32
    %dma_wait3A_411 = arith.constant 0 : i32
    %dma_wait3A_412 = arith.constant 0 : i32
    %dma_wait3A_413 = tpu.memref_slice %arg8[%dma_wait3A_409, %dma_wait3A_411, %dma_wait3A_412] : memref<3x128x128xf32, #tpu.memory_space<vmem>> -> memref<1x128x128xf32, #tpu.memory_space<vmem>>
    %dma_wait3A_414 = tpu.memref_squeeze %dma_wait3A_413 : memref<1x128x128xf32, #tpu.memory_space<vmem>> -> memref<128x128xf32, #tpu.memory_space<vmem>>
    %dma_wait3A_415 = arith.constant 0 : i32
    %dma_wait3A_416 = tpu.memref_slice %arg5[%add3A_408, %dma_wait3A_415] : memref<16384x128xf32, #tpu.memory_space<hbm>> -> memref<128x128xf32, #tpu.memory_space<hbm>>
    %dma_wait3A_417 = tpu.memref_slice %arg12[%dma_wait3A_410] : memref<3x!tpu.dma_semaphore, #tpu.memory_space<semaphore_mem>> -> memref<1x!tpu.dma_semaphore, #tpu.memory_space<semaphore_mem>>
    %dma_wait3A_418 = tpu.memref_squeeze %dma_wait3A_417 : memref<1x!tpu.dma_semaphore, #tpu.memory_space<semaphore_mem>> -> memref<!tpu.dma_semaphore, #tpu.memory_space<semaphore_mem>>
    %dma_wait3A_419 = arith.constant 0 : i32
    %dma_wait3A_420 = tpu.memref_slice %arg5[%add3A_408, %dma_wait3A_419] : memref<16384x128xf32, #tpu.memory_space<hbm>> -> memref<128x128xf32, #tpu.memory_space<hbm>>
    %dma_wait3A_421 = arith.constant 0 : i32
    %dma_wait3A_422 = arith.constant 0 : i32
    %dma_wait3A_423 = tpu.memref_slice %arg8[%dma_wait3A_409, %dma_wait3A_421, %dma_wait3A_422] : memref<3x128x128xf32, #tpu.memory_space<vmem>> -> memref<1x128x128xf32, #tpu.memory_space<vmem>>
    %dma_wait3A_424 = tpu.memref_squeeze %dma_wait3A_423 : memref<1x128x128xf32, #tpu.memory_space<vmem>> -> memref<128x128xf32, #tpu.memory_space<vmem>>
    tpu.wait_dma2 semaphore(%dma_wait3A_418 : memref<!tpu.dma_semaphore, #tpu.memory_space<semaphore_mem>>) src(%dma_wait3A_424 : memref<128x128xf32, #tpu.memory_space<vmem>>) dst(%dma_wait3A_420 : memref<128x128xf32, #tpu.memory_space<hbm>>)
    return
  }
}

</mosaic_0001>

<sc_bundles>
// kernel: kernel.3.cloned.1.call-start
scs
__scs_entry_jumppad:
0x0: {  	(pc) =	sbr.rel $0x88, $3  }
0x1: {  	(tag) =	ssettag $0x0;
	lr =	simm.s32 $0x1  }
0x2: {  	[smem:$0x3F9E] =	sst lr;
	_ =	strace $0xD0000000  }
0x3: {  	_ = 	snop  }
0x4: {  	_ = 	snop  }
0x5: {  	_ = 	snop  }
0x6: {  	_ = 	snop  }
0x7: {  	_ = 	snop  }
__scs_overlays_trampoline_lowered:
0x8: {  	[smem:$0x3FAD] =	sst s0  }
0x9: {  	[smem:$0x3FAE] =	sst s1  }
0xa: {  	[smem:$0x3FAF] =	sst s2  }
0xb: {  	[smem:$0x3FB0] =	sst s3  }
0xc: {  	[smem:$0x3FB1] =	sst s4  }
0xd: {  	[smem:$0x3FB2] =	sst s5  }
0xe: {  	[smem:$0x3FB3] =	sst s6  }
0xf: {  	[smem:$0x3FB4] =	sst s7  }
0x10: {  	[smem:$0x3FB5] =	sst s8  }
0x11: {  	[smem:$0x3FB6] =	sst s9;
	s0 =	simm.s32 @!p0 $0x0  }
0x12: {  	s1 =	sld [smem:$0x3F9C];
	s0 =	simm.s32 @p0 $0x1  }
0x13: {  	[smem:$0x3FB7] =	sst s0;
	s0 =	simm.s32 @!p1 $0x0  }
0x14: {  	s2 =	sld [smem:$0x3F9B];
	s0 =	simm.s32 @p1 $0x1  }
0x15: {  	[smem:$0x3FB8] =	sst s0;
	s0 =	simm.s32 @!p2 $0x0  }
0x16: {  	s3 =	sld [smem:$0x3FDB];
	s0 =	simm.s32 @p2 $0x1  }
0x17: {  	s4 =	simm.s32 $0x1BF5;
	[smem:$0x3FBA] =	sst s0  }
0x18: {  	s0 =	sld [smem:$0x3F9D];
	_ =	swait.ge [sflag:s4], $0x0  }
0x19: {  	s7 =	sld [smem:$0x3F9E]  }
0x1a: {  	s8 =	sadd.s32 $0xFFFFE003, lr  }
0x1b: {  	s9 =	sadd.s32 $0xFFFFFEF7, lr;
	s5 =	simm.s32 $0xFFFFFFFF;
	p2 =	slt.u32 s8, $0xFFFFF086  }
0x1c: {  	p1 =	slt.u32 s9, $0xF7A;
	s5 =	simm.s32 @!p2 $0x0  }
0x1d: {  	s5 =	simm.s32 @p1 $0x1;
	p0 =	seq.s32 s7, s2  }
0x1e: {  	s7 =	smul.u32 @!p0 $0xF7A, s2;
	p2 =	seq.s32 @!p0 s5, $0x0  }
0x1f: {  	s9 =	smul.u32 $0xF7A, s1;
	s8 =	simm.s32 @!p0 $0x1BF5;
	p2 =	por !p2, p0  }
0x20: {  	[sflag:s8] =	ssyncset.s32 @!p0 $0xFFFFF086;
	s6 =	sadd.s32 @!p0 s3, s7;
	s7 =	simm.s32 @!p0 $0x108  }
0x21: {  	s3 =	sadd.s32 s3, s9;
	s6 =	sadd.s32 @!p0 $0x88, s6;
	s7 =	simm.s32 @p2 $0x1082  }
0x22: {  	[simem:s7], [sflag:s8] =	dma.local @!p0 [hbm:s6], $0xF7A  }
0x23: {  	s9 =	sor.u32 $0xD0000000, s2;
	s6 =	simm.s32 $0x108;
	_ =	swait.ge @!p0 [sflag:s8], $0x0  }
0x24: {  	s3 =	sadd.s32 $0x88, s3;
	s6 =	simm.s32 @!p1 $0x1082;
	[sflag:s4] =	ssyncset.s32 $0xFFFFF086  }
0x25: {  	[simem:s6], [sflag:s4] =	dma.local [hbm:s3], $0xF7A  }
0x26: {  	[smem:$0x3F9E] =	sst s1;
	(tag) =	ssettag s2;
	_ =	strace s9  }
0x27: {  	s1 =	sld [smem:$0x3FAE]  }
0x28: {  	s2 =	sld [smem:$0x3FAF]  }
0x29: {  	s4 =	sld [smem:$0x3FB1]  }
0x2a: {  	p0 =	seq.s32 s5, $0x0;
	s5 =	sld [smem:$0x3FB2]  }
0x2b: {  	s6 =	sld [smem:$0x3FB3]  }
0x2c: {  	s7 =	sld [smem:$0x3FB4]  }
0x2d: {  	s3 =	simm.s32 $0x108;
	s8 =	sld [smem:$0x3FB5]  }
0x2e: {  	s3 =	simm.s32 @!p0 $0x1082;
	s9 =	sld [smem:$0x3FB6]  }
0x2f: {  	lr =	sadd.s32 s0, s3;
	s0 =	sld [smem:$0x3FAD]  }
0x30: {  	s3 =	sld [smem:$0x3FB0]  }
0x31: {  	[smem:$0x3FB9] =	sst s10  }
0x32: {  	s10 =	sld [smem:$0x3FB7];
	_ =	sdelay $0x3  }
0x33: {  	p0 =	seq.s32 s10, $0x1;
	s10 =	sld [smem:$0x3FB9];
	_ =	sdelay $0x3  }
0x34: {  	[smem:$0x3FB9] =	sst s10  }
0x35: {  	s10 =	sld [smem:$0x3FB8];
	_ =	sdelay $0x3  }
0x36: {  	p1 =	seq.s32 s10, $0x1;
	s10 =	sld [smem:$0x3FB9];
	_ =	sdelay $0x3  }
0x37: {  	[smem:$0x3FB9] =	sst s10  }
0x38: {  	s10 =	sld [smem:$0x3FBA]  }
0x39: {  	_ = 	snop;
	(pc) =	sbr.ind lr, $3  }
0x3a: {  	_ = 	snop  }
0x3b: {  	_ = 	snop  }
0x3c: {  	p2 =	seq.s32 s10, $0x1;
	s10 =	sld [smem:$0x3FB9]  }
0x3d: {  	_ =	shalt  }
0x3e: {  	_ =	shalt  }
0x3f: {  	_ =	shalt  }
0x40: {  	_ =	shalt  }
0x41: {  	_ =	shalt  }
0x42: {  	_ =	shalt  }
0x43: {  	_ =	shalt  }
0x44: {  	_ =	shalt  }
0x45: {  	_ =	shalt  }
0x46: {  	_ =	shalt  }
0x47: {  	_ =	shalt  }
0x48: {  	_ =	shalt  }
0x49: {  	_ =	shalt  }
0x4a: {  	_ =	shalt  }
0x4b: {  	_ =	shalt  }
0x4c: {  	_ =	shalt  }
0x4d: {  	_ =	shalt  }
0x4e: {  	_ =	shalt  }
0x4f: {  	_ =	shalt  }
0x50: {  	_ =	shalt  }
0x51: {  	_ =	shalt  }
0x52: {  	_ =	shalt  }
0x53: {  	_ =	shalt  }
0x54: {  	_ =	shalt  }
0x55: {  	_ =	shalt  }
0x56: {  	_ =	shalt  }
0x57: {  	_ =	shalt  }
0x58: {  	_ =	shalt  }
0x59: {  	_ =	shalt  }
0x5a: {  	_ =	shalt  }
0x5b: {  	_ =	shalt  }
0x5c: {  	_ =	shalt  }
0x5d: {  	_ =	shalt  }
0x5e: {  	_ =	shalt  }
0x5f: {  	_ =	shalt  }
0x60: {  	_ =	shalt  }
0x61: {  	_ =	shalt  }
0x62: {  	_ =	shalt  }
0x63: {  	_ =	shalt  }
0x64: {  	_ =	shalt  }
0x65: {  	_ =	shalt  }
0x66: {  	_ =	shalt  }
0x67: {  	_ =	shalt  }
0x68: {  	_ =	shalt  }
0x69: {  	_ =	shalt  }
0x6a: {  	_ =	shalt  }
0x6b: {  	_ =	shalt  }
0x6c: {  	_ =	shalt  }
0x6d: {  	_ =	shalt  }
0x6e: {  	_ =	shalt  }
0x6f: {  	_ =	shalt  }
0x70: {  	_ =	shalt  }
0x71: {  	_ =	shalt  }
0x72: {  	_ =	shalt  }
0x73: {  	_ =	shalt  }
0x74: {  	_ =	shalt  }
0x75: {  	_ =	shalt  }
0x76: {  	_ =	shalt  }
0x77: {  	_ =	shalt  }
0x78: {  	_ =	shalt  }
0x79: {  	_ =	shalt  }
0x7a: {  	_ =	shalt  }
0x7b: {  	_ =	shalt  }
0x7c: {  	_ =	shalt  }
0x7d: {  	_ =	shalt  }
0x7e: {  	_ =	shalt  }
0x7f: {  	_ =	shalt  }
0x80: {  	_ =	shalt  }
0x81: {  	_ =	shalt  }
0x82: {  	_ =	shalt  }
0x83: {  	_ =	shalt  }
0x84: {  	_ =	shalt  }
0x85: {  	_ =	shalt  }
0x86: {  	_ =	shalt  }
0x87: {  	_ =	shalt  }
.Lfunc_end0:
.L_simem_size_0:
called_computation_lowered:
.L_overlay_start_0:
0x88: {  	s2 =	sld [smem:$0x3FD9]  }
0x89: {  	s3 =	sld [smem:$0x3FFE];
	_ =	sdelay $0x1  }
0x8a: {  	s1 =	srdreg.scid  }
0x8b: {  	s0 =	sand.u32 $0x1, s1  }
0x8c: {  	s18 =	sshll.u32 s0, $0xA;
	s2 =	sadd.s32 s3, s2  }
0x8d: {  	s2 =	sadd.s32 s2, s18  }
0x8e: {  	[smem:$0x3FC5] =	sst s2  }
0x8f: {  	_ = 	snop  }
0x90: {  	s2 =	sld [smem:$0x3FC9]  }
0x91: {  	s19 =	sld [smem:$0x3FC8]  }
0x92: {  	s4 =	sld [smem:$0x3FC7]  }
0x93: {  	s5 =	sld [smem:$0x3FD0];
	(tm) =	ssettm $0x1  }
0x94: {  	s6 =	sld [smem:$0x3FFB];
	_ =	sdelay $0x3  }
0x95: {  	_ =	strace s6  }
0x96: {  	s6 =	sld [smem:$0x3FFC];
	_ =	sdelay $0x3  }
0x97: {  	_ =	strace s6  }
0x98: {  	s6 =	sld [smem:$0x3FFD];
	_ =	sdelay $0x3  }
0x99: {  	_ =	strace s6  }
0x9a: {  	_ =	strace $0x8FFFFFFF  }
0x9b: {  	s20 =	sld [smem:$0x3FDB];
	_ =	sdelay $0x1  }
0x9c: {  	s7 =	simm.s32 $_scs_section_size  }
0x9d: {  	s8 =	simm.s32 $_size__tile_overlayer_lowered;
	s9 =	simm.s32 $_tile_overlayer_lowered  }
0x9e: {  	s23 =	simm.s32 $0x1BFF;
	s22 =	sshll.u32 s9, $0x1;
	s6 =	sadd.s32 s7, s20  }
0x9f: {  	s10 =	simm.s32 $0x0;
	s21 =	sshll.u32 s8, $0x1;
	s8 =	sadd.s32 s22, s6  }
0xa0: {  	[timem:s10], [sflag:s23] =	dma.local [hbm:s8], s21  }
0xa1: {  	_ =	swait.ge [sflag:s23], s21  }
0xa2: {  	s7 =	ssub.s32 $0x0, s21;
	[sflag:s23] =	ssyncset.done $0x0  }
0xa3: {  	[sflag:s23] =	ssyncadd.s32 s7;
	_ =	sdelay $0x1  }
0xa4: {  	s24 =	simm.s32 $0x1B8B  }
0xa5: {  	_ =	swait.ge [sflag:s24], $0x1  }
0xa6: {  	[sflag:s24] =	ssyncset.done $0x0  }
0xa7: {  	s25 =	simm.s32 $0x1B8E;
	[sflag:s24] =	ssyncadd.s32 $0xFFFFFFFF  }
0xa8: {  	s26 =	simm.s32 $execute0_lowered;
	[smem:$0x3FD2] =	sst s25  }
0xa9: {  	s7 =	sshll.u32 s26, $0x1;
	_ =	strace $0x80000046;
	[dreg:$0x1] =	wrdreg $0xFFFFFFFF  }
0xaa: {  	s28 =	simm.s32 $_size_execute0_lowered;
	s6 =	sadd.s32 s6, s7;
	[dreg:$0x0] =	wrdreg $0x0  }
0xab: {  	s7 =	sshll.u32 s28, $0x1;
	[dreg:$0x2] =	wrdreg s6  }
0xac: {  	[dreg:$0x3] =	wrdreg s7  }
0xad: {  	[dreg:$0x4] =	wrdreg $0xC0  }
0xae: {  	_ =	task [dreg:s10], $0x5FFFF  }
0xaf: {  	[dreg:$0x1] =	wrdreg $0xFFFFFFFF  }
0xb0: {  	[dreg:$0x0] =	wrdreg $0x60  }
0xb1: {  	[dreg:$0x2] =	wrdreg s2  }
0xb2: {  	[dreg:$0x3] =	wrdreg s19  }
0xb3: {  	[dreg:$0x4] =	wrdreg s4  }
0xb4: {  	[dreg:$0x5] =	wrdreg s5  }
0xb5: {  	[dreg:$0x6] =	wrdreg $0x182000  }
0xb6: {  	[dreg:$0x7] =	wrdreg $0x9  }
0xb7: {  	_ =	task.clear_ibuf [dreg:s10], $0x8FFFF;
	_ =	strace $0x90000046  }
0xb8: {  	s29 =	simm.s32 $0x9;
	_ =	strace $0x80000048  }
0xb9: {  	_ =	swait.ge [sflag:s29], $0x1  }
0xba: {  	[sflag:s29] =	ssyncadd.s32 $0xFFFFFFFF  }
0xbb: {  	_ =	strace $0x90000048  }
0xbc: {  	_ =	sfence  }
0xbd: {  	s30 =	sld [smem:$0x0];
	_ =	sdelay $0x2  }
0xbe: {  	s31 =	sshll.u32 s1, $0xD;
	s1 =	sshrl.u32 s1, $0x2  }
0xbf: {  	s3 =	sand.u32 $0x4000, s31;
	s1 =	sadd.s32 s1, s30  }
0xc0: {  	s0 =	sor.u32 s3, s0;
	s1 =	sshll.u32 s1, $0x11  }
0xc1: {  	s0 =	sor.u32 s1, s0  }
0xc2: {  	s0 =	sadd.s32 $0x8F2B, s0  }
0xc3: {  	[sflag:s0] =	ssyncadd.remote.s32 $0x1  }
0xc4: {  	_ =	sfence.sel $0xFFFF  }
0xc5: {  	[dreg:$0x0] =	wrdreg $0xFFFFFFFF;
	(pc) =	sbr.abs _section_cstart, $3  }
0xc6: {  	[dreg:$0x1] =	wrdreg $0xFFFFFFFF  }
0xc7: {  	_ =	task.clear_ibuf [dreg:s10], $0x2FFFF;
	_ =	strace $0x9FFFFFFF  }
0xc8: {  	(tm) =	ssettm $0x7FFFFFFF  }
0xc9: {  	_ =	shalt  }
tec
execute0_lowered:
.L_overlay_start_1:
0x0: {  	(tag) =	ssettag $0x1  }
0x1: {  	s0 =	rddreg [dreg:$0x0]  }
0x2: {  	s1 =	rddreg [dreg:$0x1]  }
0x3: {  	s4 =	rddreg [dreg:$0x2]  }
0x4: {  	s5 =	rddreg [dreg:$0x3]  }
0x5: {  	s2 =	rddreg [dreg:$0x4];
	s6 =	srdreg.scid  }
0x6: {  	s12 =	stileid.u32;
	s3 =	simm.s32 $0x0;
	s17 =	simm.s32 $0xA  }
0x7: {  	s18 =	simm.s32 $0x80;
	s20 =	simm.s32 $0xC200;
	s28 =	simm.s32 $0x14200  }
0x8: {  	s29 =	simm.s32 $0x2;
	s30 =	simm.s32 $0x5;
	s31 =	simm.s32 $0x7  }
0x9: {  	s6 =	sand.u32 $0x1, s6;
	s7 =	sshll.u32 s12, $0x6;
	[smem:$0x7FF] =	sst s3  }
0xa: {  	s22 =	sshll.u32 s12, $0xE;
	s24 =	sshll.u32 s12, $0x7;
	s8 =	ssub.s32 $0x2, s6  }
0xb: {  	s9 =	smin.u32 s7, $0x3A8;
	_ =	strace $0x80000047;
	s23 =	sshll.u32 s6, $0xD  }
0xc: {  	s7 =	sor.u32 $0x1C0A, s7;
	s6 =	sshll.u32 s6, $0x6;
	s10 =	sshrl.u32 s8, $0x1  }
0xd: {  	s11 =	sshll.u32 s9, $0x7;
	s21 =	sshll.u32 s9, $0x4;
	[dreg:$0x7] =	wrdreg s7  }
0xe: {  	s1 =	sadd.s32 s1, s6;
	s15 =	ssub.s32 s8, s10;
	s16 =	sadd.s32 s11, s2  }
0xf: {  	s4 =	sadd.s32 s4, s21;
	s6 =	sadd.s32 s24, s1;
	s24 =	simm.s32 $0x4  }
0x10: {  	s1 =	simm.s32 $0x3;
	s21 =	simm.s32 $0x6;
	[dreg:$0x6] =	wrdreg s4  }
0x11: {  	s4 =	sor.u32 s23, s22;
	s15 =	smax.u32 s15, $0x1;
	s16 =	sshrl.u32 s16, $0x3  }
0x12: {  	s23 =	simm.s32 $0x1;
	s25 =	sor.u32 $0x800, s4;
	s7 =	sadd.s32 s0, s4  }
0x13: {  	s9 =	sadd.s32 s5, s4;
	s26 =	sor.u32 $0x1000, s4;
	s4 =	sor.u32 $0x1800, s4  }
0x14: {  	s8 =	sadd.s32 s0, s25;
	s10 =	sadd.s32 s0, s26;
	s11 =	sadd.s32 s5, s25  }
0x15: {  	s12 =	sadd.s32 s0, s4;
	s13 =	sadd.s32 s5, s26;
	s14 =	sadd.s32 s5, s4  }
0x16: {  	s25 =	simm.s32 $0x8;
	s26 =	simm.s32 $0x9;
	s0 =	simm.s32 $0x0  }
.LBB2_1:
0x17: {  	s4 =	rddreg [dreg:$0x6]  }
0x18: {  	s5 =	rddreg [dreg:$0x7]  }
0x19: {  	[spmem:s16], [sflag:s5] =	dma.local [hbm:s4], $0x400  }
0x1a: {  	_ =	swait.ge [sflag:s17], $0x400  }
0x1b: {  	[sflag:s17] =	ssyncset.done $0x0  }
0x1c: {  	[sflag:s17] =	ssyncadd.s32 $0xFFFFFC00  }
0x1d: {  	[tilespmem:s3], [sflag:$0xA] =	stream.linear.gather [hbm4b:s6+s3], $0x200, $0x38;
	[tilespmem:$0x1A140] =	vst v63  }
0x1e: {  	_ =	swait.ge [sflag:s17], $0x200  }
0x1f: {  	[sflag:s17] =	ssyncset.done $0x0  }
0x20: {  	[sflag:s17] =	ssyncadd.s32 $0xFFFFFE00  }
0x21: {  	s5 =	simm.s32 $0x200;
	[bflag:$0x0] =	sbarrier.arrive $0xFFFF  }
0x22: {  	[tilespmem:s5], [sflag:$0x1] =	stream.indirect.gather [spmem:s2], $0x80, s3, s18, $0xb8;
	[tilespmem:$0x1A140] =	vst v63  }
0x23: {  	_ = 	snop  }
0x24: {  	[tilespmem:s20], [sflag:$0x4] =	stream.linear.gather [hbm4b:s7+s3], $0x4000, $0x38;
	[tilespmem:$0x1A140] =	vst v63  }
0x25: {  	s19 =	simm.s32 $0x4200  }
0x26: {  	[tilespmem:s19], [sflag:$0x2] =	stream.indirect.gather [spmem:s2], $0x80, s18, s18, $0xb8;
	[tilespmem:$0x1A140] =	vst v63  }
0x27: {  	s22 =	simm.s32 $0x10200  }
0x28: {  	[tilespmem:s22], [sflag:$0x5] =	stream.linear.gather [hbm4b:s8+s3], $0x4000, $0x38;
	[tilespmem:$0x1A140] =	vst v63  }
0x29: {  	_ =	swait.ge [sflag:s23], $0x4000  }
0x2a: {  	[sflag:s23] =	ssyncset.done $0x0  }
0x2b: {  	[sflag:s23] =	ssyncadd.s32 $0xFFFFC000  }
0x2c: {  	_ =	swait.ge [sflag:s24], $0x4000  }
0x2d: {  	[sflag:s24] =	ssyncset.done $0x0  }
0x2e: {  	s4 =	simm.s32 $0xC300;
	[sflag:s24] =	ssyncadd.s32 $0xFFFFC000  }
0x2f: {  	s19 =	simm.s32 $0x300;
	v0 =	vld [tilespmem:s4+$0x80]  }
0x30: {  	v1 =	vld [tilespmem:s19+$0x80]  }
0x31: {  	v2 =	vld [tilespmem:s4+$0xFFFFFF80]  }
0x32: {  	v3 =	vld [tilespmem:s19+$0xFFFFFF80]  }
0x33: {  	v4 =	vld [tilespmem:s4+$0x0]  }
0x34: {  	v5 =	vld [tilespmem:s19+$0x0]  }
0x35: {  	v6 =	vld [tilespmem:s4+$0xFFFFFF00];
	v0 =	vmul.f32 v1, v0  }
0x36: {  	v1 =	vld [tilespmem:s19+$0xFFFFFF00]  }
0x37: {  	[tilespmem:s4+$0x80] =	vst v0;
	v0 =	vld [tilespmem:s4+$0x90]  }
0x38: {  	v2 =	vmul.f32 v3, v2;
	v3 =	vld [tilespmem:s19+$0x90]  }
0x39: {  	v7 =	vld [tilespmem:s4+$0xFFFFFF10]  }
0x3a: {  	[tilespmem:s4+$0xFFFFFF80] =	vst v2;
	v2 =	vmul.f32 v5, v4;
	v4 =	vld [tilespmem:s4+$0xFFFFFF90]  }
0x3b: {  	v5 =	vld [tilespmem:s19+$0xFFFFFF90];
	v1 =	vmul.f32 v1, v6  }
0x3c: {  	[tilespmem:s4+$0x0] =	vst v2;
	v2 =	vld [tilespmem:s4+$0x10]  }
0x3d: {  	v6 =	vld [tilespmem:s19+$0x10];
	[tilespmem:s4+$0xFFFFFF00] =	vst v1;
	v0 =	vmul.f32 v3, v0  }
0x3e: {  	v1 =	vld [tilespmem:s19+$0xFFFFFF10]  }
0x3f: {  	[tilespmem:s4+$0x90] =	vst v0;
	v0 =	vld [tilespmem:s4+$0xA0]  }
0x40: {  	v3 =	vmul.f32 v5, v4;
	v4 =	vld [tilespmem:s19+$0xA0]  }
0x41: {  	v5 =	vld [tilespmem:s4+$0xFFFFFF20]  }
0x42: {  	[tilespmem:s4+$0xFFFFFF90] =	vst v3;
	v2 =	vmul.f32 v6, v2;
	v3 =	vld [tilespmem:s4+$0xFFFFFFA0]  }
0x43: {  	v6 =	vld [tilespmem:s19+$0xFFFFFFA0];
	v1 =	vmul.f32 v1, v7  }
0x44: {  	[tilespmem:s4+$0x10] =	vst v2;
	v2 =	vld [tilespmem:s4+$0x20]  }
0x45: {  	v7 =	vld [tilespmem:s19+$0x20];
	[tilespmem:s4+$0xFFFFFF10] =	vst v1;
	v0 =	vmul.f32 v4, v0  }
0x46: {  	v1 =	vld [tilespmem:s19+$0xFFFFFF20]  }
0x47: {  	[tilespmem:s4+$0xA0] =	vst v0;
	v0 =	vld [tilespmem:s4+$0xB0]  }
0x48: {  	v3 =	vmul.f32 v6, v3;
	v4 =	vld [tilespmem:s19+$0xB0]  }
0x49: {  	v6 =	vld [tilespmem:s4+$0xFFFFFF30]  }
0x4a: {  	[tilespmem:s4+$0xFFFFFFA0] =	vst v3;
	v2 =	vmul.f32 v7, v2;
	v3 =	vld [tilespmem:s4+$0xFFFFFFB0]  }
0x4b: {  	v7 =	vld [tilespmem:s19+$0xFFFFFFB0];
	v1 =	vmul.f32 v1, v5  }
0x4c: {  	[tilespmem:s4+$0x20] =	vst v2;
	v2 =	vld [tilespmem:s4+$0x30]  }
0x4d: {  	v5 =	vld [tilespmem:s19+$0x30];
	[tilespmem:s4+$0xFFFFFF20] =	vst v1;
	v0 =	vmul.f32 v4, v0  }
0x4e: {  	v1 =	vld [tilespmem:s19+$0xFFFFFF30]  }
0x4f: {  	[tilespmem:s4+$0xB0] =	vst v0;
	v0 =	vld [tilespmem:s4+$0xC0]  }
0x50: {  	v3 =	vmul.f32 v7, v3;
	v4 =	vld [tilespmem:s19+$0xC0]  }
0x51: {  	v7 =	vld [tilespmem:s4+$0xFFFFFF40]  }
0x52: {  	[tilespmem:s4+$0xFFFFFFB0] =	vst v3;
	v2 =	vmul.f32 v5, v2;
	v3 =	vld [tilespmem:s4+$0xFFFFFFC0]  }
0x53: {  	v5 =	vld [tilespmem:s19+$0xFFFFFFC0];
	v1 =	vmul.f32 v1, v6  }
0x54: {  	[tilespmem:s4+$0x30] =	vst v2;
	v2 =	vld [tilespmem:s4+$0x40]  }
0x55: {  	v6 =	vld [tilespmem:s19+$0x40];
	[tilespmem:s4+$0xFFFFFF30] =	vst v1;
	v0 =	vmul.f32 v4, v0  }
0x56: {  	v1 =	vld [tilespmem:s19+$0xFFFFFF40]  }
0x57: {  	[tilespmem:s4+$0xC0] =	vst v0;
	v0 =	vld [tilespmem:s4+$0xD0]  }
0x58: {  	v3 =	vmul.f32 v5, v3;
	v4 =	vld [tilespmem:s19+$0xD0]  }
0x59: {  	v5 =	vld [tilespmem:s4+$0xFFFFFF50]  }
0x5a: {  	[tilespmem:s4+$0xFFFFFFC0] =	vst v3;
	v2 =	vmul.f32 v6, v2;
	v3 =	vld [tilespmem:s4+$0xFFFFFFD0]  }
0x5b: {  	v6 =	vld [tilespmem:s19+$0xFFFFFFD0];
	v1 =	vmul.f32 v1, v7  }
0x5c: {  	[tilespmem:s4+$0x40] =	vst v2;
	v2 =	vld [tilespmem:s4+$0x50]  }
0x5d: {  	v7 =	vld [tilespmem:s19+$0x50];
	[tilespmem:s4+$0xFFFFFF40] =	vst v1;
	v0 =	vmul.f32 v4, v0  }
0x5e: {  	v1 =	vld [tilespmem:s19+$0xFFFFFF50]  }
0x5f: {  	[tilespmem:s4+$0xD0] =	vst v0;
	v0 =	vld [tilespmem:s4+$0xE0]  }
0x60: {  	v3 =	vmul.f32 v6, v3;
	v4 =	vld [tilespmem:s19+$0xE0]  }
0x61: {  	v6 =	vld [tilespmem:s4+$0xFFFFFF60]  }
0x62: {  	[tilespmem:s4+$0xFFFFFFD0] =	vst v3;
	v2 =	vmul.f32 v7, v2;
	v3 =	vld [tilespmem:s4+$0xFFFFFFE0]  }
0x63: {  	v7 =	vld [tilespmem:s19+$0xFFFFFFE0];
	v1 =	vmul.f32 v1, v5  }
0x64: {  	[tilespmem:s4+$0x50] =	vst v2;
	v2 =	vld [tilespmem:s4+$0x60]  }
0x65: {  	v5 =	vld [tilespmem:s19+$0x60];
	[tilespmem:s4+$0xFFFFFF50] =	vst v1;
	v0 =	vmul.f32 v4, v0  }
0x66: {  	v4 =	vld [tilespmem:s19+$0xFFFFFF60]  }
0x67: {  	v8 =	vld [tilespmem:s4+$0xF0];
	[tilespmem:s4+$0xE0] =	vst v0  }
0x68: {  	v1 =	vmul.f32 v7, v3;
	v7 =	vld [tilespmem:s19+$0xF0]  }
0x69: {  	v0 =	vld [tilespmem:s4+$0xFFFFFF70]  }
0x6a: {  	[tilespmem:s4+$0xFFFFFFE0] =	vst v1;
	v2 =	vmul.f32 v5, v2;
	v1 =	vld [tilespmem:s4+$0xFFFFFFF0]  }
0x6b: {  	v3 =	vld [tilespmem:s19+$0xFFFFFFF0];
	v4 =	vmul.f32 v4, v6  }
0x6c: {  	[tilespmem:s4+$0x60] =	vst v2;
	v2 =	vld [tilespmem:s4+$0x70]  }
0x6d: {  	[tilespmem:s4+$0xFFFFFF60] =	vst v4;
	v4 =	vld [tilespmem:s19+$0x70];
	v6 =	vmul.f32 v7, v8  }
0x6e: {  	s5 =	simm.s32 $0x0;
	s22 =	simm.s32 $0xC500;
	v5 =	vld [tilespmem:s19+$0xFFFFFF70]  }
.LBB2_2:
0x6f: {  	v7 =	vld [tilespmem:s22+$0x80];
	[tilespmem:s4+$0xF0] =	vst v6;
	s19 =	sadd.s32 $0x200, s19  }
0x70: {  	s5 =	sadd.s32 $0x4, s5;
	v6 =	vld [tilespmem:s19+$0x80];
	v1 =	vmul.f32 v3, v1  }
0x71: {  	p0 =	slt.u32 s5, $0x7C;
	v3 =	vld [tilespmem:s19+$0xFFFFFF00]  }
0x72: {  	v8 =	vld [tilespmem:s22+$0xFFFFFF80];
	[tilespmem:s4+$0xFFFFFFF0] =	vst v1;
	v1 =	vmul.f32 v4, v2  }
0x73: {  	v2 =	vld [tilespmem:s19+$0xFFFFFF80];
	v0 =	vmul.f32 v5, v0  }
0x74: {  	v4 =	vld [tilespmem:s22+$0x0];
	[tilespmem:s4+$0x70] =	vst v1  }
0x75: {  	v1 =	vld [tilespmem:s19+$0x0];
	v5 =	vmul.f32 v6, v7;
	[tilespmem:s4+$0xFFFFFF70] =	vst v0;
	s4 =	smov.u32 s22  }
0x76: {  	v0 =	vld [tilespmem:s22+$0xFFFFFF00]  }
0x77: {  	[tilespmem:s22+$0x80] =	vst v5;
	v5 =	vld [tilespmem:s22+$0x90]  }
0x78: {  	v2 =	vmul.f32 v2, v8;
	v6 =	vld [tilespmem:s19+$0x90]  }
0x79: {  	v7 =	vld [tilespmem:s22+$0xFFFFFF10]  }
0x7a: {  	[tilespmem:s22+$0xFFFFFF80] =	vst v2;
	v2 =	vld [tilespmem:s22+$0xFFFFFF90];
	v1 =	vmul.f32 v1, v4  }
0x7b: {  	v0 =	vmul.f32 v3, v0;
	v3 =	vld [tilespmem:s19+$0xFFFFFF90]  }
0x7c: {  	[tilespmem:s22+$0x0] =	vst v1;
	v1 =	vld [tilespmem:s22+$0x10]  }
0x7d: {  	[tilespmem:s22+$0xFFFFFF00] =	vst v0;
	v0 =	vld [tilespmem:s19+$0x10];
	v4 =	vmul.f32 v6, v5  }
0x7e: {  	v5 =	vld [tilespmem:s19+$0xFFFFFF10]  }
0x7f: {  	[tilespmem:s22+$0x90] =	vst v4;
	v4 =	vld [tilespmem:s22+$0xA0]  }
0x80: {  	v2 =	vmul.f32 v3, v2;
	v3 =	vld [tilespmem:s19+$0xA0]  }
0x81: {  	v6 =	vld [tilespmem:s22+$0xFFFFFF20]  }
0x82: {  	[tilespmem:s22+$0xFFFFFF90] =	vst v2;
	v2 =	vld [tilespmem:s22+$0xFFFFFFA0];
	v0 =	vmul.f32 v0, v1  }
0x83: {  	v1 =	vmul.f32 v5, v7;
	v5 =	vld [tilespmem:s19+$0xFFFFFFA0]  }
0x84: {  	[tilespmem:s22+$0x10] =	vst v0;
	v0 =	vld [tilespmem:s22+$0x20]  }
0x85: {  	[tilespmem:s22+$0xFFFFFF10] =	vst v1;
	v1 =	vld [tilespmem:s19+$0x20];
	v3 =	vmul.f32 v3, v4  }
0x86: {  	v4 =	vld [tilespmem:s19+$0xFFFFFF20]  }
0x87: {  	[tilespmem:s22+$0xA0] =	vst v3;
	v3 =	vld [tilespmem:s22+$0xB0]  }
0x88: {  	v2 =	vmul.f32 v5, v2;
	v5 =	vld [tilespmem:s19+$0xB0]  }
0x89: {  	v7 =	vld [tilespmem:s22+$0xFFFFFF30]  }
0x8a: {  	[tilespmem:s22+$0xFFFFFFA0] =	vst v2;
	v2 =	vld [tilespmem:s22+$0xFFFFFFB0];
	v0 =	vmul.f32 v1, v0  }
0x8b: {  	v1 =	vmul.f32 v4, v6;
	v4 =	vld [tilespmem:s19+$0xFFFFFFB0]  }
0x8c: {  	[tilespmem:s22+$0x20] =	vst v0;
	v0 =	vld [tilespmem:s22+$0x30]  }
0x8d: {  	[tilespmem:s22+$0xFFFFFF20] =	vst v1;
	v1 =	vld [tilespmem:s19+$0x30];
	v3 =	vmul.f32 v5, v3  }
0x8e: {  	v5 =	vld [tilespmem:s19+$0xFFFFFF30]  }
0x8f: {  	[tilespmem:s22+$0xB0] =	vst v3;
	v3 =	vld [tilespmem:s22+$0xC0]  }
0x90: {  	v2 =	vmul.f32 v4, v2;
	v4 =	vld [tilespmem:s19+$0xC0]  }
0x91: {  	v6 =	vld [tilespmem:s22+$0xFFFFFF40]  }
0x92: {  	[tilespmem:s22+$0xFFFFFFB0] =	vst v2;
	v2 =	vld [tilespmem:s22+$0xFFFFFFC0];
	v0 =	vmul.f32 v1, v0  }
0x93: {  	v1 =	vmul.f32 v5, v7;
	v5 =	vld [tilespmem:s19+$0xFFFFFFC0]  }
0x94: {  	[tilespmem:s22+$0x30] =	vst v0;
	v0 =	vld [tilespmem:s22+$0x40]  }
0x95: {  	[tilespmem:s22+$0xFFFFFF30] =	vst v1;
	v1 =	vld [tilespmem:s19+$0x40];
	v3 =	vmul.f32 v4, v3  }
0x96: {  	v4 =	vld [tilespmem:s19+$0xFFFFFF40]  }
0x97: {  	[tilespmem:s22+$0xC0] =	vst v3;
	v3 =	vld [tilespmem:s22+$0xD0]  }
0x98: {  	v2 =	vmul.f32 v5, v2;
	v5 =	vld [tilespmem:s19+$0xD0]  }
0x99: {  	v7 =	vld [tilespmem:s22+$0xFFFFFF50]  }
0x9a: {  	[tilespmem:s22+$0xFFFFFFC0] =	vst v2;
	v2 =	vld [tilespmem:s22+$0xFFFFFFD0];
	v0 =	vmul.f32 v1, v0  }
0x9b: {  	v1 =	vmul.f32 v4, v6;
	v4 =	vld [tilespmem:s19+$0xFFFFFFD0]  }
0x9c: {  	[tilespmem:s22+$0x40] =	vst v0;
	v0 =	vld [tilespmem:s22+$0x50]  }
0x9d: {  	[tilespmem:s22+$0xFFFFFF40] =	vst v1;
	v1 =	vld [tilespmem:s19+$0x50];
	v3 =	vmul.f32 v5, v3  }
0x9e: {  	v5 =	vld [tilespmem:s19+$0xFFFFFF50]  }
0x9f: {  	[tilespmem:s22+$0xD0] =	vst v3;
	v3 =	vld [tilespmem:s22+$0xE0]  }
0xa0: {  	v2 =	vmul.f32 v4, v2;
	v4 =	vld [tilespmem:s19+$0xE0]  }
0xa1: {  	v6 =	vld [tilespmem:s22+$0xFFFFFF60]  }
0xa2: {  	[tilespmem:s22+$0xFFFFFFD0] =	vst v2;
	v2 =	vld [tilespmem:s22+$0xFFFFFFE0];
	v0 =	vmul.f32 v1, v0  }
0xa3: {  	v1 =	vmul.f32 v5, v7;
	v5 =	vld [tilespmem:s19+$0xFFFFFFE0]  }
0xa4: {  	[tilespmem:s22+$0x50] =	vst v0;
	v7 =	vld [tilespmem:s22+$0x60]  }
0xa5: {  	[tilespmem:s22+$0xFFFFFF50] =	vst v1;
	v8 =	vld [tilespmem:s19+$0x60];
	v0 =	vmul.f32 v4, v3  }
0xa6: {  	v3 =	vld [tilespmem:s19+$0xFFFFFF60]  }
0xa7: {  	[tilespmem:s22+$0xE0] =	vst v0;
	v9 =	vld [tilespmem:s22+$0xF0]  }
0xa8: {  	v1 =	vmul.f32 v5, v2;
	v5 =	vld [tilespmem:s19+$0xF0]  }
0xa9: {  	v0 =	vld [tilespmem:s22+$0xFFFFFF70]  }
.Ltmp0:
0xaa: {  	[tilespmem:s22+$0xFFFFFFE0] =	vst v1;
	v1 =	vld [tilespmem:s22+$0xFFFFFFF0];
	v2 =	vmul.f32 v8, v7;
	(pc) =	sbr.rel @p0 .LBB2_2-.Ltmp0, $4  }
0xab: {  	v4 =	vmul.f32 v3, v6;
	v3 =	vld [tilespmem:s19+$0xFFFFFFF0]  }
0xac: {  	[tilespmem:s22+$0x60] =	vst v2;
	v2 =	vld [tilespmem:s22+$0x70]  }
0xad: {  	[tilespmem:s22+$0xFFFFFF60] =	vst v4;
	v4 =	vld [tilespmem:s19+$0x70];
	v6 =	vmul.f32 v5, v9  }
0xae: {  	s22 =	sadd.s32 $0x200, s22;
	v5 =	vld [tilespmem:s19+$0xFFFFFF70]  }
0xaf: {  	_ =	sdelay $0x1  }
0xb0: {  	v1 =	vmul.f32 v3, v1  }
0xb1: {  	[tilespmem:s4+$0xF0] =	vst v6;
	v2 =	vmul.f32 v4, v2  }
0xb2: {  	[tilespmem:s4+$0xFFFFFFF0] =	vst v1;
	v0 =	vmul.f32 v5, v0  }
0xb3: {  	[tilespmem:s4+$0x70] =	vst v2  }
0xb4: {  	s22 =	simm.s32 $0x0;
	[tilespmem:s4+$0xFFFFFF70] =	vst v0  }
0xb5: {  	[hbm4b:s9+s22] =	stream.linear.scatter [tilespmem:s20], [sflag:$0x7], $0x4000, $0x38;
	[tilespmem:$0x1A140] =	vst v63  }
0xb6: {  	s5 =	simm.s32 $0x100;
	s19 =	simm.s32 $0x8200  }
0xb7: {  	[tilespmem:s19], [sflag:$0x3] =	stream.indirect.gather [spmem:s2], $0x80, s5, s18, $0xb8;
	[tilespmem:$0x1A140] =	vst v63  }
0xb8: {  	_ = 	snop  }
0xb9: {  	[tilespmem:s28], [sflag:$0x6] =	stream.linear.gather [hbm4b:s10+s22], $0x4000, $0x38;
	[tilespmem:$0x1A140] =	vst v63  }
0xba: {  	_ =	swait.ge [sflag:s29], $0x4000  }
0xbb: {  	[sflag:s29] =	ssyncset.done $0x0  }
0xbc: {  	[sflag:s29] =	ssyncadd.s32 $0xFFFFC000  }
0xbd: {  	_ =	swait.ge [sflag:s30], $0x4000  }
0xbe: {  	[sflag:s30] =	ssyncset.done $0x0  }
0xbf: {  	s4 =	simm.s32 $0x0;
	[sflag:s30] =	ssyncadd.s32 $0xFFFFC000  }
0xc0: {  	v0 =	vld [tilespmem:s4+$0x10200]  }
0xc1: {  	v1 =	vld [tilespmem:s4+$0x4200]  }
0xc2: {  	v2 =	vld [tilespmem:s4+$0x10210]  }
0xc3: {  	v3 =	vld [tilespmem:s4+$0x4210]  }
0xc4: {  	v4 =	vld [tilespmem:s4+$0x10220]  }
0xc5: {  	v5 =	vld [tilespmem:s4+$0x4220]  }
0xc6: {  	v6 =	vld [tilespmem:s4+$0x4230]  }
0xc7: {  	v7 =	vld [tilespmem:s4+$0x103F0]  }
0xc8: {  	v8 =	vld [tilespmem:s4+$0x43F0]  }
0xc9: {  	v9 =	vld [tilespmem:s4+$0x4260]  }
0xca: {  	v10 =	vld [tilespmem:s4+$0x10280]  }
0xcb: {  	v11 =	vld [tilespmem:s4+$0x4280]  }
0xcc: {  	v12 =	vld [tilespmem:s4+$0x10290]  }
0xcd: {  	v13 =	vld [tilespmem:s4+$0x4290]  }
0xce: {  	v14 =	vld [tilespmem:s4+$0x102A0]  }
0xcf: {  	v45 =	vld [tilespmem:s4+$0x102B0]  }
0xd0: {  	v15 =	vld [tilespmem:s4+$0x10270]  }
0xd1: {  	v47 =	vld [tilespmem:s4+$0x102C0]  }
0xd2: {  	v48 =	vld [tilespmem:s4+$0x42C0]  }
0xd3: {  	v16 =	vld [tilespmem:s4+$0x4270]  }
0xd4: {  	v49 =	vld [tilespmem:s4+$0x102D0]  }
0xd5: {  	v17 =	vld [tilespmem:s4+$0x42D0]  }
0xd6: {  	v18 =	vld [tilespmem:s4+$0x10300]  }
0xd7: {  	v19 =	vld [tilespmem:s4+$0x4300]  }
0xd8: {  	v20 =	vld [tilespmem:s4+$0x10310]  }
0xd9: {  	v21 =	vld [tilespmem:s4+$0x4310]  }
0xda: {  	v22 =	vld [tilespmem:s4+$0x10320]  }
0xdb: {  	v50 =	vld [tilespmem:s4+$0x4320]  }
0xdc: {  	v51 =	vld [tilespmem:s4+$0x10330]  }
0xdd: {  	v23 =	vld [tilespmem:s4+$0x102E0]  }
0xde: {  	v53 =	vld [tilespmem:s4+$0x10340]  }
0xdf: {  	v0 =	vmul.f32 v1, v0;
	v1 =	vld [tilespmem:s4+$0x10230]  }
0xe0: {  	v54 =	vld [tilespmem:s4+$0x4340]  }
0xe1: {  	v55 =	vld [tilespmem:s4+$0x42E0]  }
0xe2: {  	v56 =	vld [tilespmem:s4+$0x10350];
	v10 =	vmul.f32 v11, v10  }
0xe3: {  	v46 =	vmul.f32 v13, v12;
	[tilespmem:s4+$0x10200] =	vst v0;
	v0 =	vmul.f32 v3, v2;
	v2 =	vld [tilespmem:s4+$0x10240]  }
0xe4: {  	[tilespmem:s4+$0x10280] =	vst v10;
	v1 =	vmul.f32 v6, v1;
	v6 =	vld [tilespmem:s4+$0x42A0]  }
0xe5: {  	v18 =	vmul.f32 v19, v18;
	v3 =	vld [tilespmem:s4+$0x4240];
	[tilespmem:s4+$0x10290] =	vst v46  }
0xe6: {  	v52 =	vmul.f32 v21, v20;
	[tilespmem:s4+$0x10210] =	vst v0;
	v0 =	vmul.f32 v5, v4;
	v4 =	vld [tilespmem:s4+$0x10250]  }
0xe7: {  	[tilespmem:s4+$0x10300] =	vst v18;
	v5 =	vld [tilespmem:s4+$0x4250]  }
0xe8: {  	v57 =	vld [tilespmem:s4+$0x102F0];
	v7 =	vmul.f32 v8, v7;
	[tilespmem:s4+$0x10310] =	vst v52  }
0xe9: {  	[tilespmem:s4+$0x10220] =	vst v0;
	v0 =	vld [tilespmem:s4+$0x10260];
	v6 =	vmul.f32 v6, v14  }
0xea: {  	v58 =	vld [tilespmem:s4+$0x10360];
	[tilespmem:s4+$0x103F0] =	vst v7  }
0xeb: {  	v2 =	vmul.f32 v3, v2;
	[tilespmem:s4+$0x102A0] =	vst v6;
	v6 =	vld [tilespmem:s4+$0x4330]  }
0xec: {  	[tilespmem:s4+$0x10230] =	vst v1;
	v1 =	vld [tilespmem:s4+$0x42B0];
	v4 =	vmul.f32 v5, v4  }
0xed: {  	v59 =	vld [tilespmem:s4+$0x4360];
	[tilespmem:s4+$0x10240] =	vst v2;
	v14 =	vmul.f32 v50, v22  }
0xee: {  	v5 =	vld [tilespmem:s4+$0x10380];
	v0 =	vmul.f32 v9, v0;
	[tilespmem:s4+$0x10250] =	vst v4  }
0xef: {  	v2 =	vld [tilespmem:s4+$0x4380];
	v4 =	vmul.f32 v16, v15;
	[tilespmem:s4+$0x10320] =	vst v14  }
0xf0: {  	v60 =	vld [tilespmem:s4+$0x4390];
	[tilespmem:s4+$0x10260] =	vst v0;
	v6 =	vmul.f32 v6, v51  }
0xf1: {  	v7 =	vld [tilespmem:s4+$0x10390];
	v1 =	vmul.f32 v1, v45;
	[tilespmem:s4+$0x10270] =	vst v4  }
0xf2: {  	v0 =	vmul.f32 v48, v47;
	[tilespmem:s4+$0x10330] =	vst v6;
	v6 =	vld [tilespmem:s4+$0x42F0]  }
0xf3: {  	v61 =	vld [tilespmem:s4+$0x103A0];
	v4 =	vmul.f32 v17, v49;
	[tilespmem:s4+$0x102B0] =	vst v1  }
0xf4: {  	v63 =	vld [tilespmem:s4+$0x4370];
	v2 =	vmul.f32 v2, v5;
	[tilespmem:s4+$0x102C0] =	vst v0  }
0xf5: {  	v1 =	vld [tilespmem:s4+$0x4350];
	v0 =	vmul.f32 v55, v23;
	[tilespmem:s4+$0x102D0] =	vst v4  }
0xf6: {  	v3 =	vld [tilespmem:s4+$0x10370];
	[tilespmem:s4+$0x10380] =	vst v2;
	v2 =	vmul.f32 v60, v7  }
0xf7: {  	v62 =	vld [tilespmem:s4+$0x43A0];
	[tilespmem:s4+$0x102E0] =	vst v0;
	v0 =	vmul.f32 v6, v57  }
0xf8: {  	v5 =	vld [tilespmem:s4+$0x43B0];
	[tilespmem:s4+$0x10390] =	vst v2;
	v6 =	vmul.f32 v54, v53  }
0xf9: {  	v4 =	vld [tilespmem:s4+$0x103B0];
	v7 =	vmul.f32 v59, v58;
	[tilespmem:s4+$0x102F0] =	vst v0  }
0xfa: {  	v0 =	vld [tilespmem:s4+$0x103C0];
	[tilespmem:s4+$0x10340] =	vst v6;
	v6 =	vmul.f32 v1, v56  }
0xfb: {  	[tilespmem:s4+$0x10360] =	vst v7;
	v7 =	vmul.f32 v63, v3;
	v1 =	vld [tilespmem:s4+$0x43C0]  }
0xfc: {  	v2 =	vld [tilespmem:s4+$0x103D0];
	[tilespmem:s4+$0x10350] =	vst v6;
	v6 =	vmul.f32 v62, v61  }
0xfd: {  	v3 =	vld [tilespmem:s4+$0x43D0];
	[tilespmem:s4+$0x10370] =	vst v7  }
0xfe: {  	s19 =	simm.s32 $0x0;
	s5 =	simm.s32 $0x800;
	v5 =	vmul.f32 v5, v4;
	v4 =	vld [tilespmem:s4+$0x103E0];
	[tilespmem:s4+$0x103A0] =	vst v6  }
.LBB2_4:
0xff: {  	s22 =	sshra.s32 s5, $0x2;
	v6 =	vld [tilespmem:s4+$0x43E0]  }
0x100: {  	s19 =	sadd.s32 $0x4, s19;
	v7 =	vld [tilespmem:s22+$0x103F0];
	[tilespmem:s4+$0x103B0] =	vst v5;
	v0 =	vmul.f32 v1, v0  }
0x101: {  	p0 =	slt.u32 s19, $0x7C;
	v1 =	vld [tilespmem:s22+$0x43F0]  }
0x102: {  	v5 =	vld [tilespmem:s22+$0x10200];
	[tilespmem:s4+$0x103C0] =	vst v0;
	v0 =	vmul.f32 v3, v2  }
0x103: {  	v2 =	vld [tilespmem:s22+$0x4200]  }
0x104: {  	v3 =	vld [tilespmem:s22+$0x10210];
	[tilespmem:s4+$0x103D0] =	vst v0;
	v0 =	vmul.f32 v6, v4  }
0x105: {  	v4 =	vld [tilespmem:s22+$0x4210]  }
0x106: {  	v6 =	vld [tilespmem:s22+$0x10220];
	v1 =	vmul.f32 v1, v7;
	[tilespmem:s4+$0x103E0] =	vst v0;
	s4 =	smov.u32 s22  }
0x107: {  	v0 =	vld [tilespmem:s4+$0x4220]  }
0x108: {  	v2 =	vmul.f32 v2, v5;
	v5 =	vld [tilespmem:s4+$0x10230];
	[tilespmem:s4+$0x103F0] =	vst v1  }
0x109: {  	v1 =	vld [tilespmem:s4+$0x4230]  }
0x10a: {  	[tilespmem:s4+$0x10200] =	vst v2;
	v2 =	vmul.f32 v4, v3;
	v3 =	vld [tilespmem:s4+$0x10240]  }
0x10b: {  	v4 =	vld [tilespmem:s4+$0x4240]  }
0x10c: {  	[tilespmem:s4+$0x10210] =	vst v2;
	v0 =	vmul.f32 v0, v6;
	v2 =	vld [tilespmem:s4+$0x10250]  }
0x10d: {  	v6 =	vld [tilespmem:s4+$0x4250]  }
0x10e: {  	[tilespmem:s4+$0x10220] =	vst v0;
	v0 =	vmul.f32 v1, v5;
	v1 =	vld [tilespmem:s4+$0x10260]  }
0x10f: {  	v5 =	vld [tilespmem:s4+$0x4260]  }
0x110: {  	[tilespmem:s4+$0x10230] =	vst v0;
	v0 =	vmul.f32 v4, v3;
	v3 =	vld [tilespmem:s4+$0x10270]  }
0x111: {  	v4 =	vld [tilespmem:s4+$0x4270]  }
0x112: {  	[tilespmem:s4+$0x10240] =	vst v0;
	v0 =	vmul.f32 v6, v2;
	v2 =	vld [tilespmem:s4+$0x10280]  }
0x113: {  	v6 =	vld [tilespmem:s4+$0x4280]  }
0x114: {  	[tilespmem:s4+$0x10250] =	vst v0;
	v0 =	vmul.f32 v5, v1;
	v1 =	vld [tilespmem:s4+$0x10290]  }
0x115: {  	v5 =	vld [tilespmem:s4+$0x4290]  }
0x116: {  	[tilespmem:s4+$0x10260] =	vst v0;
	v0 =	vmul.f32 v4, v3;
	v3 =	vld [tilespmem:s4+$0x102A0]  }
0x117: {  	v4 =	vld [tilespmem:s4+$0x42A0]  }
0x118: {  	[tilespmem:s4+$0x10270] =	vst v0;
	v0 =	vmul.f32 v6, v2;
	v2 =	vld [tilespmem:s4+$0x102B0]  }
0x119: {  	v6 =	vld [tilespmem:s4+$0x42B0]  }
0x11a: {  	[tilespmem:s4+$0x10280] =	vst v0;
	v0 =	vmul.f32 v5, v1;
	v1 =	vld [tilespmem:s4+$0x102C0]  }
0x11b: {  	v5 =	vld [tilespmem:s4+$0x42C0]  }
0x11c: {  	[tilespmem:s4+$0x10290] =	vst v0;
	v0 =	vmul.f32 v4, v3;
	v3 =	vld [tilespmem:s4+$0x102D0]  }
0x11d: {  	v4 =	vld [tilespmem:s4+$0x42D0]  }
0x11e: {  	[tilespmem:s4+$0x102A0] =	vst v0;
	v0 =	vmul.f32 v6, v2;
	v2 =	vld [tilespmem:s4+$0x102E0]  }
0x11f: {  	v6 =	vld [tilespmem:s4+$0x42E0]  }
0x120: {  	[tilespmem:s4+$0x102B0] =	vst v0;
	v0 =	vmul.f32 v5, v1;
	v1 =	vld [tilespmem:s4+$0x102F0]  }
0x121: {  	v5 =	vld [tilespmem:s4+$0x42F0]  }
0x122: {  	[tilespmem:s4+$0x102C0] =	vst v0;
	v0 =	vmul.f32 v4, v3;
	v3 =	vld [tilespmem:s4+$0x10300]  }
0x123: {  	v4 =	vld [tilespmem:s4+$0x4300]  }
0x124: {  	[tilespmem:s4+$0x102D0] =	vst v0;
	v0 =	vmul.f32 v6, v2;
	v2 =	vld [tilespmem:s4+$0x10310]  }
0x125: {  	v6 =	vld [tilespmem:s4+$0x4310]  }
0x126: {  	[tilespmem:s4+$0x102E0] =	vst v0;
	v0 =	vmul.f32 v5, v1;
	v1 =	vld [tilespmem:s4+$0x10320]  }
0x127: {  	v5 =	vld [tilespmem:s4+$0x4320]  }
0x128: {  	[tilespmem:s4+$0x102F0] =	vst v0;
	v0 =	vmul.f32 v4, v3;
	v3 =	vld [tilespmem:s4+$0x10330]  }
0x129: {  	v4 =	vld [tilespmem:s4+$0x4330]  }
0x12a: {  	[tilespmem:s4+$0x10300] =	vst v0;
	v0 =	vmul.f32 v6, v2;
	v2 =	vld [tilespmem:s4+$0x10340]  }
0x12b: {  	v6 =	vld [tilespmem:s4+$0x4340]  }
0x12c: {  	[tilespmem:s4+$0x10310] =	vst v0;
	v0 =	vmul.f32 v5, v1;
	v1 =	vld [tilespmem:s4+$0x10350]  }
0x12d: {  	v5 =	vld [tilespmem:s4+$0x4350]  }
0x12e: {  	[tilespmem:s4+$0x10320] =	vst v0;
	v0 =	vmul.f32 v4, v3;
	v3 =	vld [tilespmem:s4+$0x10360]  }
0x12f: {  	v4 =	vld [tilespmem:s4+$0x4360]  }
0x130: {  	[tilespmem:s4+$0x10330] =	vst v0;
	v0 =	vmul.f32 v6, v2;
	v2 =	vld [tilespmem:s4+$0x10370]  }
0x131: {  	v6 =	vld [tilespmem:s4+$0x4370]  }
0x132: {  	[tilespmem:s4+$0x10340] =	vst v0;
	v0 =	vmul.f32 v5, v1;
	v1 =	vld [tilespmem:s4+$0x10380]  }
0x133: {  	v5 =	vld [tilespmem:s4+$0x4380]  }
0x134: {  	[tilespmem:s4+$0x10350] =	vst v0;
	v0 =	vmul.f32 v4, v3;
	v3 =	vld [tilespmem:s4+$0x10390]  }
0x135: {  	v4 =	vld [tilespmem:s4+$0x4390]  }
0x136: {  	[tilespmem:s4+$0x10360] =	vst v0;
	v0 =	vmul.f32 v6, v2;
	v2 =	vld [tilespmem:s4+$0x103A0]  }
0x137: {  	v6 =	vld [tilespmem:s4+$0x43A0]  }
0x138: {  	[tilespmem:s4+$0x10370] =	vst v0;
	v0 =	vmul.f32 v5, v1;
	v5 =	vld [tilespmem:s4+$0x103B0]  }
0x139: {  	v7 =	vld [tilespmem:s4+$0x43B0]  }
.Ltmp1:
0x13a: {  	[tilespmem:s4+$0x10380] =	vst v0;
	v3 =	vmul.f32 v4, v3;
	v0 =	vld [tilespmem:s4+$0x103C0];
	(pc) =	sbr.rel @p0 .LBB2_4-.Ltmp1, $4  }
0x13b: {  	v1 =	vld [tilespmem:s4+$0x43C0]  }
0x13c: {  	[tilespmem:s4+$0x10390] =	vst v3;
	v4 =	vmul.f32 v6, v2;
	v2 =	vld [tilespmem:s4+$0x103D0]  }
0x13d: {  	v3 =	vld [tilespmem:s4+$0x43D0]  }
0x13e: {  	s5 =	sadd.s32 $0x800, s5;
	[tilespmem:s4+$0x103A0] =	vst v4;
	v5 =	vmul.f32 v7, v5;
	v4 =	vld [tilespmem:s4+$0x103E0]  }
0x13f: {  	v6 =	vld [tilespmem:s4+$0x43E0];
	_ =	sdelay $0x2  }
0x140: {  	v0 =	vmul.f32 v1, v0  }
0x141: {  	[tilespmem:s4+$0x103B0] =	vst v5;
	v1 =	vmul.f32 v3, v2  }
0x142: {  	[tilespmem:s4+$0x103C0] =	vst v0;
	v0 =	vmul.f32 v6, v4  }
0x143: {  	[tilespmem:s4+$0x103D0] =	vst v1  }
0x144: {  	s5 =	simm.s32 $0x10200;
	[tilespmem:s4+$0x103E0] =	vst v0;
	s4 =	simm.s32 $0x0  }
0x145: {  	[hbm4b:s11+s4] =	stream.linear.scatter [tilespmem:s5], [sflag:$0x8], $0x4000, $0x38;
	[tilespmem:$0x1A140] =	vst v63  }
0x146: {  	_ =	swait.ge [sflag:s31], $0x4000  }
0x147: {  	[sflag:s31] =	ssyncset.done $0x0  }
0x148: {  	s22 =	simm.s32 $0x200;
	s19 =	simm.s32 $0x180;
	[sflag:s31] =	ssyncadd.s32 $0xFFFFC000  }
0x149: {  	[tilespmem:s22], [sflag:$0x1] =	stream.indirect.gather [spmem:s2], $0x80, s19, s18, $0xb8;
	[tilespmem:$0x1A140] =	vst v63  }
0x14a: {  	_ = 	snop  }
0x14b: {  	[tilespmem:s20], [sflag:$0x4] =	stream.linear.gather [hbm4b:s12+s4], $0x4000, $0x38;
	[tilespmem:$0x1A140] =	vst v63  }
0x14c: {  	_ =	swait.ge [sflag:s1], $0x4000  }
0x14d: {  	[sflag:s1] =	ssyncset.done $0x0  }
0x14e: {  	[sflag:s1] =	ssyncadd.s32 $0xFFFFC000  }
0x14f: {  	_ =	swait.ge [sflag:s21], $0x4000  }
0x150: {  	[sflag:s21] =	ssyncset.done $0x0  }
0x151: {  	s4 =	simm.s32 $0x0;
	[sflag:s21] =	ssyncadd.s32 $0xFFFFC000  }
0x152: {  	v0 =	vld [tilespmem:s4+$0x14200]  }
0x153: {  	v1 =	vld [tilespmem:s4+$0x8200]  }
0x154: {  	v2 =	vld [tilespmem:s4+$0x14210]  }
0x155: {  	v3 =	vld [tilespmem:s4+$0x8210]  }
0x156: {  	v4 =	vld [tilespmem:s4+$0x14220]  }
0x157: {  	v5 =	vld [tilespmem:s4+$0x8220]  }
0x158: {  	v6 =	vld [tilespmem:s4+$0x8230]  }
0x159: {  	v7 =	vld [tilespmem:s4+$0x143F0]  }
0x15a: {  	v8 =	vld [tilespmem:s4+$0x83F0]  }
0x15b: {  	v9 =	vld [tilespmem:s4+$0x8260]  }
0x15c: {  	v10 =	vld [tilespmem:s4+$0x14280]  }
0x15d: {  	v11 =	vld [tilespmem:s4+$0x8280]  }
0x15e: {  	v12 =	vld [tilespmem:s4+$0x14290]  }
0x15f: {  	v13 =	vld [tilespmem:s4+$0x8290]  }
0x160: {  	v14 =	vld [tilespmem:s4+$0x142A0]  }
0x161: {  	v45 =	vld [tilespmem:s4+$0x142B0]  }
0x162: {  	v15 =	vld [tilespmem:s4+$0x14270]  }
0x163: {  	v47 =	vld [tilespmem:s4+$0x142C0]  }
0x164: {  	v48 =	vld [tilespmem:s4+$0x82C0]  }
0x165: {  	v16 =	vld [tilespmem:s4+$0x8270]  }
0x166: {  	v49 =	vld [tilespmem:s4+$0x142D0]  }
0x167: {  	v17 =	vld [tilespmem:s4+$0x82D0]  }
0x168: {  	v18 =	vld [tilespmem:s4+$0x14300]  }
0x169: {  	v19 =	vld [tilespmem:s4+$0x8300]  }
0x16a: {  	v20 =	vld [tilespmem:s4+$0x14310]  }
0x16b: {  	v21 =	vld [tilespmem:s4+$0x8310]  }
0x16c: {  	v22 =	vld [tilespmem:s4+$0x14320]  }
0x16d: {  	v50 =	vld [tilespmem:s4+$0x8320]  }
0x16e: {  	v51 =	vld [tilespmem:s4+$0x14330]  }
0x16f: {  	v23 =	vld [tilespmem:s4+$0x142E0]  }
0x170: {  	v53 =	vld [tilespmem:s4+$0x14340]  }
0x171: {  	v0 =	vmul.f32 v1, v0;
	v1 =	vld [tilespmem:s4+$0x14230]  }
0x172: {  	v54 =	vld [tilespmem:s4+$0x8340]  }
0x173: {  	v55 =	vld [tilespmem:s4+$0x82E0]  }
0x174: {  	v56 =	vld [tilespmem:s4+$0x14350];
	v10 =	vmul.f32 v11, v10  }
0x175: {  	v46 =	vmul.f32 v13, v12;
	[tilespmem:s4+$0x14200] =	vst v0;
	v0 =	vmul.f32 v3, v2;
	v2 =	vld [tilespmem:s4+$0x14240]  }
0x176: {  	[tilespmem:s4+$0x14280] =	vst v10;
	v1 =	vmul.f32 v6, v1;
	v6 =	vld [tilespmem:s4+$0x82A0]  }
0x177: {  	v18 =	vmul.f32 v19, v18;
	v3 =	vld [tilespmem:s4+$0x8240];
	[tilespmem:s4+$0x14290] =	vst v46  }
0x178: {  	v52 =	vmul.f32 v21, v20;
	[tilespmem:s4+$0x14210] =	vst v0;
	v0 =	vmul.f32 v5, v4;
	v4 =	vld [tilespmem:s4+$0x14250]  }
0x179: {  	[tilespmem:s4+$0x14300] =	vst v18;
	v5 =	vld [tilespmem:s4+$0x8250]  }
0x17a: {  	v57 =	vld [tilespmem:s4+$0x142F0];
	v7 =	vmul.f32 v8, v7;
	[tilespmem:s4+$0x14310] =	vst v52  }
0x17b: {  	[tilespmem:s4+$0x14220] =	vst v0;
	v0 =	vld [tilespmem:s4+$0x14260];
	v6 =	vmul.f32 v6, v14  }
0x17c: {  	v58 =	vld [tilespmem:s4+$0x14360];
	[tilespmem:s4+$0x143F0] =	vst v7  }
0x17d: {  	v2 =	vmul.f32 v3, v2;
	[tilespmem:s4+$0x142A0] =	vst v6;
	v6 =	vld [tilespmem:s4+$0x8330]  }
0x17e: {  	[tilespmem:s4+$0x14230] =	vst v1;
	v1 =	vld [tilespmem:s4+$0x82B0];
	v4 =	vmul.f32 v5, v4  }
0x17f: {  	v59 =	vld [tilespmem:s4+$0x8360];
	[tilespmem:s4+$0x14240] =	vst v2;
	v14 =	vmul.f32 v50, v22  }
0x180: {  	v5 =	vld [tilespmem:s4+$0x14380];
	v0 =	vmul.f32 v9, v0;
	[tilespmem:s4+$0x14250] =	vst v4  }
0x181: {  	v2 =	vld [tilespmem:s4+$0x8380];
	v4 =	vmul.f32 v16, v15;
	[tilespmem:s4+$0x14320] =	vst v14  }
0x182: {  	v60 =	vld [tilespmem:s4+$0x8390];
	[tilespmem:s4+$0x14260] =	vst v0;
	v6 =	vmul.f32 v6, v51  }
0x183: {  	v7 =	vld [tilespmem:s4+$0x14390];
	v1 =	vmul.f32 v1, v45;
	[tilespmem:s4+$0x14270] =	vst v4  }
0x184: {  	v0 =	vmul.f32 v48, v47;
	[tilespmem:s4+$0x14330] =	vst v6;
	v6 =	vld [tilespmem:s4+$0x82F0]  }
0x185: {  	v61 =	vld [tilespmem:s4+$0x143A0];
	v4 =	vmul.f32 v17, v49;
	[tilespmem:s4+$0x142B0] =	vst v1  }
0x186: {  	v63 =	vld [tilespmem:s4+$0x8370];
	v2 =	vmul.f32 v2, v5;
	[tilespmem:s4+$0x142C0] =	vst v0  }
0x187: {  	v1 =	vld [tilespmem:s4+$0x8350];
	v0 =	vmul.f32 v55, v23;
	[tilespmem:s4+$0x142D0] =	vst v4  }
0x188: {  	v3 =	vld [tilespmem:s4+$0x14370];
	[tilespmem:s4+$0x14380] =	vst v2;
	v2 =	vmul.f32 v60, v7  }
0x189: {  	v62 =	vld [tilespmem:s4+$0x83A0];
	[tilespmem:s4+$0x142E0] =	vst v0;
	v0 =	vmul.f32 v6, v57  }
0x18a: {  	v5 =	vld [tilespmem:s4+$0x83B0];
	[tilespmem:s4+$0x14390] =	vst v2;
	v6 =	vmul.f32 v54, v53  }
0x18b: {  	v4 =	vld [tilespmem:s4+$0x143B0];
	v7 =	vmul.f32 v59, v58;
	[tilespmem:s4+$0x142F0] =	vst v0  }
0x18c: {  	v0 =	vld [tilespmem:s4+$0x143C0];
	[tilespmem:s4+$0x14340] =	vst v6;
	v6 =	vmul.f32 v1, v56  }
0x18d: {  	[tilespmem:s4+$0x14360] =	vst v7;
	v7 =	vmul.f32 v63, v3;
	v1 =	vld [tilespmem:s4+$0x83C0]  }
0x18e: {  	v2 =	vld [tilespmem:s4+$0x143D0];
	[tilespmem:s4+$0x14350] =	vst v6;
	v6 =	vmul.f32 v62, v61  }
0x18f: {  	v3 =	vld [tilespmem:s4+$0x83D0];
	[tilespmem:s4+$0x14370] =	vst v7  }
0x190: {  	s5 =	simm.s32 $0x800;
	s19 =	simm.s32 $0x0;
	v5 =	vmul.f32 v5, v4;
	v4 =	vld [tilespmem:s4+$0x143E0];
	[tilespmem:s4+$0x143A0] =	vst v6  }
.LBB2_6:
0x191: {  	s22 =	sshra.s32 s5, $0x2;
	v6 =	vld [tilespmem:s4+$0x83E0]  }
0x192: {  	s19 =	sadd.s32 $0x4, s19;
	v7 =	vld [tilespmem:s22+$0x143F0];
	[tilespmem:s4+$0x143B0] =	vst v5;
	v0 =	vmul.f32 v1, v0  }
0x193: {  	p0 =	slt.u32 s19, $0x7C;
	v1 =	vld [tilespmem:s22+$0x83F0]  }
0x194: {  	v5 =	vld [tilespmem:s22+$0x14200];
	[tilespmem:s4+$0x143C0] =	vst v0;
	v0 =	vmul.f32 v3, v2  }
0x195: {  	v2 =	vld [tilespmem:s22+$0x8200]  }
0x196: {  	v3 =	vld [tilespmem:s22+$0x14210];
	[tilespmem:s4+$0x143D0] =	vst v0;
	v0 =	vmul.f32 v6, v4  }
0x197: {  	v4 =	vld [tilespmem:s22+$0x8210]  }
0x198: {  	v6 =	vld [tilespmem:s22+$0x14220];
	v1 =	vmul.f32 v1, v7;
	[tilespmem:s4+$0x143E0] =	vst v0;
	s4 =	smov.u32 s22  }
0x199: {  	v0 =	vld [tilespmem:s4+$0x8220]  }
0x19a: {  	v2 =	vmul.f32 v2, v5;
	v5 =	vld [tilespmem:s4+$0x14230];
	[tilespmem:s4+$0x143F0] =	vst v1  }
0x19b: {  	v1 =	vld [tilespmem:s4+$0x8230]  }
0x19c: {  	[tilespmem:s4+$0x14200] =	vst v2;
	v2 =	vmul.f32 v4, v3;
	v3 =	vld [tilespmem:s4+$0x14240]  }
0x19d: {  	v4 =	vld [tilespmem:s4+$0x8240]  }
0x19e: {  	[tilespmem:s4+$0x14210] =	vst v2;
	v0 =	vmul.f32 v0, v6;
	v2 =	vld [tilespmem:s4+$0x14250]  }
0x19f: {  	v6 =	vld [tilespmem:s4+$0x8250]  }
0x1a0: {  	[tilespmem:s4+$0x14220] =	vst v0;
	v0 =	vmul.f32 v1, v5;
	v1 =	vld [tilespmem:s4+$0x14260]  }
0x1a1: {  	v5 =	vld [tilespmem:s4+$0x8260]  }
0x1a2: {  	[tilespmem:s4+$0x14230] =	vst v0;
	v0 =	vmul.f32 v4, v3;
	v3 =	vld [tilespmem:s4+$0x14270]  }
0x1a3: {  	v4 =	vld [tilespmem:s4+$0x8270]  }
0x1a4: {  	[tilespmem:s4+$0x14240] =	vst v0;
	v0 =	vmul.f32 v6, v2;
	v2 =	vld [tilespmem:s4+$0x14280]  }
0x1a5: {  	v6 =	vld [tilespmem:s4+$0x8280]  }
0x1a6: {  	[tilespmem:s4+$0x14250] =	vst v0;
	v0 =	vmul.f32 v5, v1;
	v1 =	vld [tilespmem:s4+$0x14290]  }
0x1a7: {  	v5 =	vld [tilespmem:s4+$0x8290]  }
0x1a8: {  	[tilespmem:s4+$0x14260] =	vst v0;
	v0 =	vmul.f32 v4, v3;
	v3 =	vld [tilespmem:s4+$0x142A0]  }
0x1a9: {  	v4 =	vld [tilespmem:s4+$0x82A0]  }
0x1aa: {  	[tilespmem:s4+$0x14270] =	vst v0;
	v0 =	vmul.f32 v6, v2;
	v2 =	vld [tilespmem:s4+$0x142B0]  }
0x1ab: {  	v6 =	vld [tilespmem:s4+$0x82B0]  }
0x1ac: {  	[tilespmem:s4+$0x14280] =	vst v0;
	v0 =	vmul.f32 v5, v1;
	v1 =	vld [tilespmem:s4+$0x142C0]  }
0x1ad: {  	v5 =	vld [tilespmem:s4+$0x82C0]  }
0x1ae: {  	[tilespmem:s4+$0x14290] =	vst v0;
	v0 =	vmul.f32 v4, v3;
	v3 =	vld [tilespmem:s4+$0x142D0]  }
0x1af: {  	v4 =	vld [tilespmem:s4+$0x82D0]  }
0x1b0: {  	[tilespmem:s4+$0x142A0] =	vst v0;
	v0 =	vmul.f32 v6, v2;
	v2 =	vld [tilespmem:s4+$0x142E0]  }
0x1b1: {  	v6 =	vld [tilespmem:s4+$0x82E0]  }
0x1b2: {  	[tilespmem:s4+$0x142B0] =	vst v0;
	v0 =	vmul.f32 v5, v1;
	v1 =	vld [tilespmem:s4+$0x142F0]  }
0x1b3: {  	v5 =	vld [tilespmem:s4+$0x82F0]  }
0x1b4: {  	[tilespmem:s4+$0x142C0] =	vst v0;
	v0 =	vmul.f32 v4, v3;
	v3 =	vld [tilespmem:s4+$0x14300]  }
0x1b5: {  	v4 =	vld [tilespmem:s4+$0x8300]  }
0x1b6: {  	[tilespmem:s4+$0x142D0] =	vst v0;
	v0 =	vmul.f32 v6, v2;
	v2 =	vld [tilespmem:s4+$0x14310]  }
0x1b7: {  	v6 =	vld [tilespmem:s4+$0x8310]  }
0x1b8: {  	[tilespmem:s4+$0x142E0] =	vst v0;
	v0 =	vmul.f32 v5, v1;
	v1 =	vld [tilespmem:s4+$0x14320]  }
0x1b9: {  	v5 =	vld [tilespmem:s4+$0x8320]  }
0x1ba: {  	[tilespmem:s4+$0x142F0] =	vst v0;
	v0 =	vmul.f32 v4, v3;
	v3 =	vld [tilespmem:s4+$0x14330]  }
0x1bb: {  	v4 =	vld [tilespmem:s4+$0x8330]  }
0x1bc: {  	[tilespmem:s4+$0x14300] =	vst v0;
	v0 =	vmul.f32 v6, v2;
	v2 =	vld [tilespmem:s4+$0x14340]  }
0x1bd: {  	v6 =	vld [tilespmem:s4+$0x8340]  }
0x1be: {  	[tilespmem:s4+$0x14310] =	vst v0;
	v0 =	vmul.f32 v5, v1;
	v1 =	vld [tilespmem:s4+$0x14350]  }
0x1bf: {  	v5 =	vld [tilespmem:s4+$0x8350]  }
0x1c0: {  	[tilespmem:s4+$0x14320] =	vst v0;
	v0 =	vmul.f32 v4, v3;
	v3 =	vld [tilespmem:s4+$0x14360]  }
0x1c1: {  	v4 =	vld [tilespmem:s4+$0x8360]  }
0x1c2: {  	[tilespmem:s4+$0x14330] =	vst v0;
	v0 =	vmul.f32 v6, v2;
	v2 =	vld [tilespmem:s4+$0x14370]  }
0x1c3: {  	v6 =	vld [tilespmem:s4+$0x8370]  }
0x1c4: {  	[tilespmem:s4+$0x14340] =	vst v0;
	v0 =	vmul.f32 v5, v1;
	v1 =	vld [tilespmem:s4+$0x14380]  }
0x1c5: {  	v5 =	vld [tilespmem:s4+$0x8380]  }
0x1c6: {  	[tilespmem:s4+$0x14350] =	vst v0;
	v0 =	vmul.f32 v4, v3;
	v3 =	vld [tilespmem:s4+$0x14390]  }
0x1c7: {  	v4 =	vld [tilespmem:s4+$0x8390]  }
0x1c8: {  	[tilespmem:s4+$0x14360] =	vst v0;
	v0 =	vmul.f32 v6, v2;
	v2 =	vld [tilespmem:s4+$0x143A0]  }
0x1c9: {  	v6 =	vld [tilespmem:s4+$0x83A0]  }
0x1ca: {  	[tilespmem:s4+$0x14370] =	vst v0;
	v0 =	vmul.f32 v5, v1;
	v5 =	vld [tilespmem:s4+$0x143B0]  }
0x1cb: {  	v7 =	vld [tilespmem:s4+$0x83B0]  }
.Ltmp2:
0x1cc: {  	[tilespmem:s4+$0x14380] =	vst v0;
	v3 =	vmul.f32 v4, v3;
	v0 =	vld [tilespmem:s4+$0x143C0];
	(pc) =	sbr.rel @p0 .LBB2_6-.Ltmp2, $4  }
0x1cd: {  	v1 =	vld [tilespmem:s4+$0x83C0]  }
0x1ce: {  	[tilespmem:s4+$0x14390] =	vst v3;
	v4 =	vmul.f32 v6, v2;
	v2 =	vld [tilespmem:s4+$0x143D0]  }
0x1cf: {  	v3 =	vld [tilespmem:s4+$0x83D0]  }
0x1d0: {  	s5 =	sadd.s32 $0x800, s5;
	[tilespmem:s4+$0x143A0] =	vst v4;
	v5 =	vmul.f32 v7, v5;
	v4 =	vld [tilespmem:s4+$0x143E0]  }
0x1d1: {  	v6 =	vld [tilespmem:s4+$0x83E0];
	_ =	sdelay $0x2  }
0x1d2: {  	v0 =	vmul.f32 v1, v0  }
0x1d3: {  	[tilespmem:s4+$0x143B0] =	vst v5;
	v1 =	vmul.f32 v3, v2  }
0x1d4: {  	[tilespmem:s4+$0x143C0] =	vst v0;
	v0 =	vmul.f32 v6, v4  }
0x1d5: {  	[tilespmem:s4+$0x143D0] =	vst v1  }
0x1d6: {  	[tilespmem:s4+$0x143E0] =	vst v0  }
0x1d7: {  	[hbm4b:s13+s3] =	stream.linear.scatter [tilespmem:s28], [sflag:$0x9], $0x4000, $0x38;
	[tilespmem:$0x1A140] =	vst v63  }
0x1d8: {  	_ =	swait.ge [sflag:s23], $0x4000  }
0x1d9: {  	[sflag:s23] =	ssyncset.done $0x0  }
0x1da: {  	[sflag:s23] =	ssyncadd.s32 $0xFFFFC000  }
0x1db: {  	_ =	swait.ge [sflag:s24], $0x4000  }
0x1dc: {  	[sflag:s24] =	ssyncset.done $0x0  }
0x1dd: {  	s4 =	simm.s32 $0xC300;
	[sflag:s24] =	ssyncadd.s32 $0xFFFFC000  }
0x1de: {  	s19 =	simm.s32 $0x300;
	v0 =	vld [tilespmem:s4+$0x80]  }
0x1df: {  	v1 =	vld [tilespmem:s19+$0x80]  }
0x1e0: {  	v2 =	vld [tilespmem:s4+$0xFFFFFF80]  }
0x1e1: {  	v3 =	vld [tilespmem:s19+$0xFFFFFF80]  }
0x1e2: {  	v4 =	vld [tilespmem:s4+$0x0]  }
0x1e3: {  	v5 =	vld [tilespmem:s19+$0x0]  }
0x1e4: {  	v6 =	vld [tilespmem:s4+$0xFFFFFF00];
	v0 =	vmul.f32 v1, v0  }
0x1e5: {  	v1 =	vld [tilespmem:s19+$0xFFFFFF00]  }
0x1e6: {  	[tilespmem:s4+$0x80] =	vst v0;
	v0 =	vld [tilespmem:s4+$0x90]  }
0x1e7: {  	v2 =	vmul.f32 v3, v2;
	v3 =	vld [tilespmem:s19+$0x90]  }
0x1e8: {  	v7 =	vld [tilespmem:s4+$0xFFFFFF10]  }
0x1e9: {  	[tilespmem:s4+$0xFFFFFF80] =	vst v2;
	v2 =	vmul.f32 v5, v4;
	v4 =	vld [tilespmem:s4+$0xFFFFFF90]  }
0x1ea: {  	v5 =	vld [tilespmem:s19+$0xFFFFFF90];
	v1 =	vmul.f32 v1, v6  }
0x1eb: {  	[tilespmem:s4+$0x0] =	vst v2;
	v2 =	vld [tilespmem:s4+$0x10]  }
0x1ec: {  	v6 =	vld [tilespmem:s19+$0x10];
	[tilespmem:s4+$0xFFFFFF00] =	vst v1;
	v0 =	vmul.f32 v3, v0  }
0x1ed: {  	v1 =	vld [tilespmem:s19+$0xFFFFFF10]  }
0x1ee: {  	[tilespmem:s4+$0x90] =	vst v0;
	v0 =	vld [tilespmem:s4+$0xA0]  }
0x1ef: {  	v3 =	vmul.f32 v5, v4;
	v4 =	vld [tilespmem:s19+$0xA0]  }
0x1f0: {  	v5 =	vld [tilespmem:s4+$0xFFFFFF20]  }
0x1f1: {  	[tilespmem:s4+$0xFFFFFF90] =	vst v3;
	v2 =	vmul.f32 v6, v2;
	v3 =	vld [tilespmem:s4+$0xFFFFFFA0]  }
0x1f2: {  	v6 =	vld [tilespmem:s19+$0xFFFFFFA0];
	v1 =	vmul.f32 v1, v7  }
0x1f3: {  	[tilespmem:s4+$0x10] =	vst v2;
	v2 =	vld [tilespmem:s4+$0x20]  }
0x1f4: {  	v7 =	vld [tilespmem:s19+$0x20];
	[tilespmem:s4+$0xFFFFFF10] =	vst v1;
	v0 =	vmul.f32 v4, v0  }
0x1f5: {  	v1 =	vld [tilespmem:s19+$0xFFFFFF20]  }
0x1f6: {  	[tilespmem:s4+$0xA0] =	vst v0;
	v0 =	vld [tilespmem:s4+$0xB0]  }
0x1f7: {  	v3 =	vmul.f32 v6, v3;
	v4 =	vld [tilespmem:s19+$0xB0]  }
0x1f8: {  	v6 =	vld [tilespmem:s4+$0xFFFFFF30]  }
0x1f9: {  	[tilespmem:s4+$0xFFFFFFA0] =	vst v3;
	v2 =	vmul.f32 v7, v2;
	v3 =	vld [tilespmem:s4+$0xFFFFFFB0]  }
0x1fa: {  	v7 =	vld [tilespmem:s19+$0xFFFFFFB0];
	v1 =	vmul.f32 v1, v5  }
0x1fb: {  	[tilespmem:s4+$0x20] =	vst v2;
	v2 =	vld [tilespmem:s4+$0x30]  }
0x1fc: {  	v5 =	vld [tilespmem:s19+$0x30];
	[tilespmem:s4+$0xFFFFFF20] =	vst v1;
	v0 =	vmul.f32 v4, v0  }
0x1fd: {  	v1 =	vld [tilespmem:s19+$0xFFFFFF30]  }
0x1fe: {  	[tilespmem:s4+$0xB0] =	vst v0;
	v0 =	vld [tilespmem:s4+$0xC0]  }
0x1ff: {  	v3 =	vmul.f32 v7, v3;
	v4 =	vld [tilespmem:s19+$0xC0]  }
0x200: {  	v7 =	vld [tilespmem:s4+$0xFFFFFF40]  }
0x201: {  	[tilespmem:s4+$0xFFFFFFB0] =	vst v3;
	v2 =	vmul.f32 v5, v2;
	v3 =	vld [tilespmem:s4+$0xFFFFFFC0]  }
0x202: {  	v5 =	vld [tilespmem:s19+$0xFFFFFFC0];
	v1 =	vmul.f32 v1, v6  }
0x203: {  	[tilespmem:s4+$0x30] =	vst v2;
	v2 =	vld [tilespmem:s4+$0x40]  }
0x204: {  	v6 =	vld [tilespmem:s19+$0x40];
	[tilespmem:s4+$0xFFFFFF30] =	vst v1;
	v0 =	vmul.f32 v4, v0  }
0x205: {  	v1 =	vld [tilespmem:s19+$0xFFFFFF40]  }
0x206: {  	[tilespmem:s4+$0xC0] =	vst v0;
	v0 =	vld [tilespmem:s4+$0xD0]  }
0x207: {  	v3 =	vmul.f32 v5, v3;
	v4 =	vld [tilespmem:s19+$0xD0]  }
0x208: {  	v5 =	vld [tilespmem:s4+$0xFFFFFF50]  }
0x209: {  	[tilespmem:s4+$0xFFFFFFC0] =	vst v3;
	v2 =	vmul.f32 v6, v2;
	v3 =	vld [tilespmem:s4+$0xFFFFFFD0]  }
0x20a: {  	v6 =	vld [tilespmem:s19+$0xFFFFFFD0];
	v1 =	vmul.f32 v1, v7  }
0x20b: {  	[tilespmem:s4+$0x40] =	vst v2;
	v2 =	vld [tilespmem:s4+$0x50]  }
0x20c: {  	v7 =	vld [tilespmem:s19+$0x50];
	[tilespmem:s4+$0xFFFFFF40] =	vst v1;
	v0 =	vmul.f32 v4, v0  }
0x20d: {  	v1 =	vld [tilespmem:s19+$0xFFFFFF50]  }
0x20e: {  	[tilespmem:s4+$0xD0] =	vst v0;
	v0 =	vld [tilespmem:s4+$0xE0]  }
0x20f: {  	v3 =	vmul.f32 v6, v3;
	v4 =	vld [tilespmem:s19+$0xE0]  }
0x210: {  	v6 =	vld [tilespmem:s4+$0xFFFFFF60]  }
0x211: {  	[tilespmem:s4+$0xFFFFFFD0] =	vst v3;
	v2 =	vmul.f32 v7, v2;
	v3 =	vld [tilespmem:s4+$0xFFFFFFE0]  }
0x212: {  	v7 =	vld [tilespmem:s19+$0xFFFFFFE0];
	v1 =	vmul.f32 v1, v5  }
0x213: {  	[tilespmem:s4+$0x50] =	vst v2;
	v2 =	vld [tilespmem:s4+$0x60]  }
0x214: {  	v5 =	vld [tilespmem:s19+$0x60];
	[tilespmem:s4+$0xFFFFFF50] =	vst v1;
	v0 =	vmul.f32 v4, v0  }
0x215: {  	v4 =	vld [tilespmem:s19+$0xFFFFFF60]  }
0x216: {  	v8 =	vld [tilespmem:s4+$0xF0];
	[tilespmem:s4+$0xE0] =	vst v0  }
0x217: {  	v1 =	vmul.f32 v7, v3;
	v7 =	vld [tilespmem:s19+$0xF0]  }
0x218: {  	v0 =	vld [tilespmem:s4+$0xFFFFFF70]  }
0x219: {  	[tilespmem:s4+$0xFFFFFFE0] =	vst v1;
	v2 =	vmul.f32 v5, v2;
	v1 =	vld [tilespmem:s4+$0xFFFFFFF0]  }
0x21a: {  	v3 =	vld [tilespmem:s19+$0xFFFFFFF0];
	v4 =	vmul.f32 v4, v6  }
0x21b: {  	[tilespmem:s4+$0x60] =	vst v2;
	v2 =	vld [tilespmem:s4+$0x70]  }
0x21c: {  	[tilespmem:s4+$0xFFFFFF60] =	vst v4;
	v4 =	vld [tilespmem:s19+$0x70];
	v6 =	vmul.f32 v7, v8  }
0x21d: {  	s5 =	simm.s32 $0x0;
	s22 =	simm.s32 $0xC500;
	v5 =	vld [tilespmem:s19+$0xFFFFFF70]  }
.LBB2_8:
0x21e: {  	v7 =	vld [tilespmem:s22+$0x80];
	[tilespmem:s4+$0xF0] =	vst v6;
	s19 =	sadd.s32 $0x200, s19  }
0x21f: {  	s5 =	sadd.s32 $0x4, s5;
	v6 =	vld [tilespmem:s19+$0x80];
	v1 =	vmul.f32 v3, v1  }
0x220: {  	p0 =	slt.u32 s5, $0x7C;
	v3 =	vld [tilespmem:s19+$0xFFFFFF00]  }
0x221: {  	v8 =	vld [tilespmem:s22+$0xFFFFFF80];
	[tilespmem:s4+$0xFFFFFFF0] =	vst v1;
	v1 =	vmul.f32 v4, v2  }
0x222: {  	v2 =	vld [tilespmem:s19+$0xFFFFFF80];
	v0 =	vmul.f32 v5, v0  }
0x223: {  	v4 =	vld [tilespmem:s22+$0x0];
	[tilespmem:s4+$0x70] =	vst v1  }
0x224: {  	v1 =	vld [tilespmem:s19+$0x0];
	v5 =	vmul.f32 v6, v7;
	[tilespmem:s4+$0xFFFFFF70] =	vst v0;
	s4 =	smov.u32 s22  }
0x225: {  	v0 =	vld [tilespmem:s22+$0xFFFFFF00]  }
0x226: {  	[tilespmem:s22+$0x80] =	vst v5;
	v5 =	vld [tilespmem:s22+$0x90]  }
0x227: {  	v2 =	vmul.f32 v2, v8;
	v6 =	vld [tilespmem:s19+$0x90]  }
0x228: {  	v7 =	vld [tilespmem:s22+$0xFFFFFF10]  }
0x229: {  	[tilespmem:s22+$0xFFFFFF80] =	vst v2;
	v2 =	vld [tilespmem:s22+$0xFFFFFF90];
	v1 =	vmul.f32 v1, v4  }
0x22a: {  	v0 =	vmul.f32 v3, v0;
	v3 =	vld [tilespmem:s19+$0xFFFFFF90]  }
0x22b: {  	[tilespmem:s22+$0x0] =	vst v1;
	v1 =	vld [tilespmem:s22+$0x10]  }
0x22c: {  	[tilespmem:s22+$0xFFFFFF00] =	vst v0;
	v0 =	vld [tilespmem:s19+$0x10];
	v4 =	vmul.f32 v6, v5  }
0x22d: {  	v5 =	vld [tilespmem:s19+$0xFFFFFF10]  }
0x22e: {  	[tilespmem:s22+$0x90] =	vst v4;
	v4 =	vld [tilespmem:s22+$0xA0]  }
0x22f: {  	v2 =	vmul.f32 v3, v2;
	v3 =	vld [tilespmem:s19+$0xA0]  }
0x230: {  	v6 =	vld [tilespmem:s22+$0xFFFFFF20]  }
0x231: {  	[tilespmem:s22+$0xFFFFFF90] =	vst v2;
	v2 =	vld [tilespmem:s22+$0xFFFFFFA0];
	v0 =	vmul.f32 v0, v1  }
0x232: {  	v1 =	vmul.f32 v5, v7;
	v5 =	vld [tilespmem:s19+$0xFFFFFFA0]  }
0x233: {  	[tilespmem:s22+$0x10] =	vst v0;
	v0 =	vld [tilespmem:s22+$0x20]  }
0x234: {  	[tilespmem:s22+$0xFFFFFF10] =	vst v1;
	v1 =	vld [tilespmem:s19+$0x20];
	v3 =	vmul.f32 v3, v4  }
0x235: {  	v4 =	vld [tilespmem:s19+$0xFFFFFF20]  }
0x236: {  	[tilespmem:s22+$0xA0] =	vst v3;
	v3 =	vld [tilespmem:s22+$0xB0]  }
0x237: {  	v2 =	vmul.f32 v5, v2;
	v5 =	vld [tilespmem:s19+$0xB0]  }
0x238: {  	v7 =	vld [tilespmem:s22+$0xFFFFFF30]  }
0x239: {  	[tilespmem:s22+$0xFFFFFFA0] =	vst v2;
	v2 =	vld [tilespmem:s22+$0xFFFFFFB0];
	v0 =	vmul.f32 v1, v0  }
0x23a: {  	v1 =	vmul.f32 v4, v6;
	v4 =	vld [tilespmem:s19+$0xFFFFFFB0]  }
0x23b: {  	[tilespmem:s22+$0x20] =	vst v0;
	v0 =	vld [tilespmem:s22+$0x30]  }
0x23c: {  	[tilespmem:s22+$0xFFFFFF20] =	vst v1;
	v1 =	vld [tilespmem:s19+$0x30];
	v3 =	vmul.f32 v5, v3  }
0x23d: {  	v5 =	vld [tilespmem:s19+$0xFFFFFF30]  }
0x23e: {  	[tilespmem:s22+$0xB0] =	vst v3;
	v3 =	vld [tilespmem:s22+$0xC0]  }
0x23f: {  	v2 =	vmul.f32 v4, v2;
	v4 =	vld [tilespmem:s19+$0xC0]  }
0x240: {  	v6 =	vld [tilespmem:s22+$0xFFFFFF40]  }
0x241: {  	[tilespmem:s22+$0xFFFFFFB0] =	vst v2;
	v2 =	vld [tilespmem:s22+$0xFFFFFFC0];
	v0 =	vmul.f32 v1, v0  }
0x242: {  	v1 =	vmul.f32 v5, v7;
	v5 =	vld [tilespmem:s19+$0xFFFFFFC0]  }
0x243: {  	[tilespmem:s22+$0x30] =	vst v0;
	v0 =	vld [tilespmem:s22+$0x40]  }
0x244: {  	[tilespmem:s22+$0xFFFFFF30] =	vst v1;
	v1 =	vld [tilespmem:s19+$0x40];
	v3 =	vmul.f32 v4, v3  }
0x245: {  	v4 =	vld [tilespmem:s19+$0xFFFFFF40]  }
0x246: {  	[tilespmem:s22+$0xC0] =	vst v3;
	v3 =	vld [tilespmem:s22+$0xD0]  }
0x247: {  	v2 =	vmul.f32 v5, v2;
	v5 =	vld [tilespmem:s19+$0xD0]  }
0x248: {  	v7 =	vld [tilespmem:s22+$0xFFFFFF50]  }
0x249: {  	[tilespmem:s22+$0xFFFFFFC0] =	vst v2;
	v2 =	vld [tilespmem:s22+$0xFFFFFFD0];
	v0 =	vmul.f32 v1, v0  }
0x24a: {  	v1 =	vmul.f32 v4, v6;
	v4 =	vld [tilespmem:s19+$0xFFFFFFD0]  }
0x24b: {  	[tilespmem:s22+$0x40] =	vst v0;
	v0 =	vld [tilespmem:s22+$0x50]  }
0x24c: {  	[tilespmem:s22+$0xFFFFFF40] =	vst v1;
	v1 =	vld [tilespmem:s19+$0x50];
	v3 =	vmul.f32 v5, v3  }
0x24d: {  	v5 =	vld [tilespmem:s19+$0xFFFFFF50]  }
0x24e: {  	[tilespmem:s22+$0xD0] =	vst v3;
	v3 =	vld [tilespmem:s22+$0xE0]  }
0x24f: {  	v2 =	vmul.f32 v4, v2;
	v4 =	vld [tilespmem:s19+$0xE0]  }
0x250: {  	v6 =	vld [tilespmem:s22+$0xFFFFFF60]  }
0x251: {  	[tilespmem:s22+$0xFFFFFFD0] =	vst v2;
	v2 =	vld [tilespmem:s22+$0xFFFFFFE0];
	v0 =	vmul.f32 v1, v0  }
0x252: {  	v1 =	vmul.f32 v5, v7;
	v5 =	vld [tilespmem:s19+$0xFFFFFFE0]  }
0x253: {  	[tilespmem:s22+$0x50] =	vst v0;
	v7 =	vld [tilespmem:s22+$0x60]  }
0x254: {  	[tilespmem:s22+$0xFFFFFF50] =	vst v1;
	v8 =	vld [tilespmem:s19+$0x60];
	v0 =	vmul.f32 v4, v3  }
0x255: {  	v3 =	vld [tilespmem:s19+$0xFFFFFF60]  }
0x256: {  	[tilespmem:s22+$0xE0] =	vst v0;
	v9 =	vld [tilespmem:s22+$0xF0]  }
0x257: {  	v1 =	vmul.f32 v5, v2;
	v5 =	vld [tilespmem:s19+$0xF0]  }
0x258: {  	v0 =	vld [tilespmem:s22+$0xFFFFFF70]  }
.Ltmp3:
0x259: {  	[tilespmem:s22+$0xFFFFFFE0] =	vst v1;
	v1 =	vld [tilespmem:s22+$0xFFFFFFF0];
	v2 =	vmul.f32 v8, v7;
	(pc) =	sbr.rel @p0 .LBB2_8-.Ltmp3, $4  }
0x25a: {  	v4 =	vmul.f32 v3, v6;
	v3 =	vld [tilespmem:s19+$0xFFFFFFF0]  }
0x25b: {  	[tilespmem:s22+$0x60] =	vst v2;
	v2 =	vld [tilespmem:s22+$0x70]  }
0x25c: {  	[tilespmem:s22+$0xFFFFFF60] =	vst v4;
	v4 =	vld [tilespmem:s19+$0x70];
	v6 =	vmul.f32 v5, v9  }
0x25d: {  	s22 =	sadd.s32 $0x200, s22;
	v5 =	vld [tilespmem:s19+$0xFFFFFF70]  }
0x25e: {  	_ =	sdelay $0x1  }
0x25f: {  	v1 =	vmul.f32 v3, v1  }
0x260: {  	[tilespmem:s4+$0xF0] =	vst v6;
	v2 =	vmul.f32 v4, v2  }
0x261: {  	[tilespmem:s4+$0xFFFFFFF0] =	vst v1;
	v0 =	vmul.f32 v5, v0  }
0x262: {  	[tilespmem:s4+$0x70] =	vst v2  }
0x263: {  	[tilespmem:s4+$0xFFFFFF70] =	vst v0  }
0x264: {  	[hbm4b:s14+s3] =	stream.linear.scatter [tilespmem:s20], [sflag:$0x7], $0x4000, $0x38;
	[tilespmem:$0x1A140] =	vst v63  }
0x265: {  	_ =	swait.ge [sflag:s25], $0x4000  }
0x266: {  	[sflag:s25] =	ssyncset.done $0x0  }
0x267: {  	s0 =	sadd.s32 $0x1, s0;
	[sflag:s25] =	ssyncadd.s32 $0xFFFFC000  }
0x268: {  	p0 =	sne.s32 s0, s15;
	_ =	swait.ge [sflag:s26], $0x4000  }
.Ltmp4:
0x269: {  	[sflag:s26] =	ssyncset.done $0x0;
	(pc) =	sbr.rel @p0 .LBB2_1-.Ltmp4, $4  }
0x26a: {  	[sflag:s26] =	ssyncadd.s32 $0xFFFFC000  }
0x26b: {  	_ =	swait.ge [sflag:s31], $0x4000  }
0x26c: {  	[sflag:s31] =	ssyncset.done $0x0  }
0x26d: {  	[sflag:s31] =	ssyncadd.s32 $0xFFFFC000  }
0x26e: {  	_ =	sfence.sel $0x180000  }
0x26f: {  	[bflag:$0x0] =	sbarrier.arrive $0xFFFF  }
0x270: {  	_ =	strace $0x90000047  }
0x271: {  	s0 =	stileid.u32;
	[bflag:$0x2] =	sbarrier.arrive $0xFFFF  }
0x272: {  	p0 =	sne.s32 s0, $0x0;
	s0 =	rddreg [dreg:$0x5]  }
0x273: {  	s0 =	sadd.s32 @!p0 $0x100000, s0  }
0x274: {  	[sflag:s0] =	ssyncadd.tile.s32 @!p0 $0x1;
	_ =	shalt  }
.Lfunc_end2:
_tile_overlayer_lowered:
.L_overlay_start_2:
0x275: {  	(tag) =	ssettag $0x2  }
0x276: {  	s0 =	rddreg [dreg:$0x0];
	s2 =	stileid.u32  }
0x277: {  	s1 =	rddreg [dreg:$0x1];
	p0 =	sne.s32 s2, $0x0  }
0x278: {  	s3 =	rddreg [dreg:$0x2];
	[bflag:$0x3] =	sbarrier.arrive $0xFFFF;
	s2 =	simm.s32 @!p0 $0x1C0A  }
0x279: {  	[timem:s3], [sflag:s2] =	dma.local @!p0 [hbm:s0], s1  }
0x27a: {  	s0 =	simm.s32 @!p0 $0xA  }
0x27b: {  	_ =	swait.ge @!p0 [sflag:s0], s1  }
0x27c: {  	s1 =	ssub.s32 @!p0 $0x0, s1;
	[sflag:s0] =	ssyncset.done @!p0 $0x0  }
0x27d: {  	[sflag:s0] =	ssyncadd.s32 @!p0 s1  }
0x27e: {  	[bflag:$0x3] =	sbarrier.arrive $0xFFFF  }
0x27f: {  	_ =	shalt  }

</sc_bundles>
